<compile_context>
chip_gen: v7x
topology: tpu7x:2x2x1
jax: 0.10.2.dev20260603
libtpu: 0.0.44.dev20260713+nightly
codegen_flags: <defaults>
</compile_context>

<pallas_src>
import jax
import jax.numpy as jnp
from jax import lax
from jax.experimental import pallas as pl
from jax.experimental.pallas import tpu as pltpu
from jax.experimental.pallas import tpu_sc as plsc

B, N, DPTS = 8, 2048, 64
NPOINT, RADIUS, NSAMPLE = 512, 0.2, 32
FW = 128
NROWS = B * NPOINT
P = NROWS * NSAMPLE
NW = 32
RPW = NROWS // NW
RB = 4096
GB = RB // NSAMPLE
NBLK = P // RB


NGF = 1
HB = B // NGF


def _fps_body(a_ref, idx_ref, cx_ref, cy_ref, cz_ref):
    a = a_ref[...]
    lane = jax.lax.broadcasted_iota(jnp.int32, (HB, N), 1)
    lane3 = jax.lax.broadcasted_iota(jnp.int32, (3 * HB, N), 1)
    out_lane = jax.lax.broadcasted_iota(jnp.int32, (HB, NPOINT), 1)
    slabs = [a[3 * HB * g:3 * HB * (g + 1)] for g in range(NGF)]

    def step_grp(slab, st, i):
        dist, far, cents, ox, oy, oz = st
        far3 = jnp.concatenate([far, far, far], axis=0)
        oh = lane3 == far3
        cvec = jnp.sum(jnp.where(oh, slab, 0.0), axis=1, keepdims=True)
        sel = out_lane == i
        cents = jnp.where(sel, far, cents)
        ox = jnp.where(sel, cvec[0:HB], ox)
        oy = jnp.where(sel, cvec[HB:2 * HB], oy)
        oz = jnp.where(sel, cvec[2 * HB:3 * HB], oz)
        df = slab - cvec
        sq = df * df
        d = sq[0:HB] + sq[HB:2 * HB]
        d = d + sq[2 * HB:3 * HB]
        dist = jnp.minimum(dist, d)
        m = jnp.max(dist, axis=1, keepdims=True)
        far = jnp.min(jnp.where(dist == m, lane, N), axis=1, keepdims=True)
        return (dist, far, cents, ox, oy, oz)

    def body(i, sts):
        return tuple(step_grp(slabs[g], sts[g], i) for g in range(NGF))

    def init(slab):
        dist0 = jnp.full((HB, N), 1e10, dtype=jnp.float32) + slab[0:HB] * 0.0
        far0 = jnp.min(lane, axis=1, keepdims=True)
        ox0 = slab[0:HB, :NPOINT] * 0.0
        return (dist0, far0, ox0.astype(jnp.int32), ox0, ox0, ox0)

    sts = jax.lax.fori_loop(0, NPOINT, body,
                            tuple(init(slabs[g]) for g in range(NGF)))
    idx_ref[...] = jnp.concatenate([st[2] for st in sts], axis=0)
    cx_ref[...] = jnp.concatenate([st[3] for st in sts], axis=0)
    cy_ref[...] = jnp.concatenate([st[4] for st in sts], axis=0)
    cz_ref[...] = jnp.concatenate([st[5] for st in sts], axis=0)


def _run_fps(xyz):
    a = xyz.reshape(NGF, HB, 3, N).transpose(0, 2, 1, 3).reshape(3 * B, N)
    out_shape = [
        jax.ShapeDtypeStruct((B, NPOINT), jnp.int32),
        jax.ShapeDtypeStruct((B, NPOINT), jnp.float32),
        jax.ShapeDtypeStruct((B, NPOINT), jnp.float32),
        jax.ShapeDtypeStruct((B, NPOINT), jnp.float32),
    ]
    return pl.pallas_call(_fps_body, out_shape=out_shape)(a)


NCH = N // 16


def _ball_cumsum(c, p):
    t = jax.lax.dot_general(c, p, (((1,), (0,)), ((), ())),
                            preferred_element_type=jnp.float32)
    d = -2.0 * t
    src2 = jnp.sum(c * c, axis=1, keepdims=True)
    d = d + src2
    dst2 = jnp.sum(p * p, axis=0, keepdims=True)
    d = d + dst2
    maskv = jnp.where(d <= RADIUS * RADIUS, 1.0, 0.0).astype(jnp.float32)

    lane = jax.lax.broadcasted_iota(jnp.int32, (NPOINT, N), 1)
    lmod = lane & 15
    cw = maskv
    for k in (1, 2, 4, 8):
        sh = jnp.concatenate(
            [jnp.zeros((NPOINT, k), jnp.float32), cw[:, :N - k]], axis=1)
        cw = cw + jnp.where(lmod >= k, sh, 0.0)
    cs_m = (jax.lax.broadcasted_iota(jnp.int32, (N, NCH), 0) // 16
            == jax.lax.broadcasted_iota(jnp.int32, (N, NCH), 1)
            ).astype(jnp.float32)
    c128 = jax.lax.dot_general(maskv, cs_m, (((1,), (0,)), ((), ())),
                               preferred_element_type=jnp.float32)
    lts = (jax.lax.broadcasted_iota(jnp.int32, (NCH, NCH), 0)
           < jax.lax.broadcasted_iota(jnp.int32, (NCH, NCH), 1)
           ).astype(jnp.float32)
    coff = jax.lax.dot_general(c128, lts, (((1,), (0,)), ((), ())),
                               preferred_element_type=jnp.float32)
    chi = jnp.floor(coff * (1.0 / 256.0))
    clo = coff - chi * 256.0
    er = (jax.lax.broadcasted_iota(jnp.int32, (NCH, N), 0)
          == jax.lax.broadcasted_iota(jnp.int32, (NCH, N), 1) // 16
          ).astype(jnp.float32)
    exp = (jax.lax.dot_general(chi, er, (((1,), (0,)), ((), ())),
                               preferred_element_type=jnp.float32) * 256.0
           + jax.lax.dot_general(clo, er, (((1,), (0,)), ((), ())),
                                 preferred_element_type=jnp.float32))
    return maskv, cw + exp


def _sel_body(c_ref, p_ref, idx_ref):
    b = pl.program_id(0)
    maskv, cincl = _ball_cumsum(c_ref[0], p_ref[0])

    out32 = jax.lax.broadcasted_iota(jnp.int32, (NPOINT, NSAMPLE), 1)

    def body(k, r):
        kf = jnp.float32(1.0) * k
        rk = jnp.sum(jnp.where(cincl <= kf, 1.0, 0.0), axis=1, keepdims=True)
        return jnp.where(out32 == k, rk, r)

    r0 = maskv[:, :NSAMPLE] * 0.0
    r = jax.lax.fori_loop(0, NSAMPLE, body, r0)
    first = jnp.sum(jnp.where(out32 == 0, r, 0.0), axis=1, keepdims=True)
    idxf = jnp.where(r == jnp.float32(N), first, r)
    idxf = idxf + jnp.float32(1.0) * (b * N)
    idx_ref[0] = idxf.astype(jnp.int32)


def _run_sel(new_xyz_t, xyz):
    return pl.pallas_call(
        _sel_body,
        grid=(B,),
        in_specs=[
            pl.BlockSpec((1, NPOINT, 3), lambda b: (b, 0, 0)),
            pl.BlockSpec((1, 3, N), lambda b: (b, 0, 0)),
        ],
        out_specs=pl.BlockSpec((1, NPOINT, NSAMPLE), lambda b: (b, 0, 0)),
        out_shape=jax.ShapeDtypeStruct((B, NPOINT, NSAMPLE), jnp.int32),
    )(new_xyz_t, xyz)


def _mask_body(c_ref, p_ref, f_ref, slo_ref, shi_ref, ft_ref,
               sg_ref, gff_ref, gfc_ref, gcc_ref, sf_ref, sc_ref,
               aff, afc, acc_, asf, asc):
    b = pl.program_id(0)
    c = c_ref[0]
    maskv, cincl = _ball_cumsum(c, p_ref[0])

    oh = (jax.lax.broadcasted_iota(jnp.int32, (NPOINT, N), 1)
          == f_ref[0]).astype(jnp.float32)
    lo = jax.lax.dot_general(slo_ref[0], oh, (((1,), (1,)), ((), ())),
                             preferred_element_type=jnp.float32)
    hi = jax.lax.dot_general(shi_ref[0], oh, (((1,), (1,)), ((), ())),
                             preferred_element_type=jnp.float32)
    sg_ref[0] = hi.astype(jnp.int32) * 256 + lo.astype(jnp.int32)

    ft = ft_ref[0]
    cmat = c
    selmat = maskv * jnp.where(cincl <= jnp.float32(NSAMPLE), 1.0, 0.0)
    tot = cincl[:, N - 1:N]
    padcnt = jnp.maximum(jnp.float32(NSAMPLE) - tot, 0.0)
    firstoh = maskv * jnp.where(cincl == 1.0, 1.0, 0.0)
    wmat = selmat + firstoh * padcnt
    onesc = jnp.zeros((NPOINT, 1), jnp.float32) + 1.0
    multc = jax.lax.dot_general(wmat, onesc, (((0,), (0,)), ((), ())),
                                preferred_element_type=jnp.float32)
    gffc = jax.lax.dot_general(ft * multc, ft, (((0,), (0,)), ((), ())),
                               preferred_element_type=jnp.float32)
    fs = jax.lax.dot_general(wmat, ft, (((1,), (0,)), ((), ())),
                             preferred_element_type=jnp.float32)
    gfcc = jax.lax.dot_general(fs, cmat, (((0,), (0,)), ((), ())),
                               preferred_element_type=jnp.float32)
    gccc = jax.lax.dot_general(cmat, cmat, (((0,), (0,)), ((), ())),
                               preferred_element_type=jnp.float32) * \
        jnp.float32(NSAMPLE)
    sfc = jnp.sum(fs, axis=0, keepdims=True)
    scc = jnp.sum(cmat, axis=0, keepdims=True) * jnp.float32(NSAMPLE)

    @pl.when(b == 0)
    def _():
        aff[...] = jnp.zeros_like(aff)
        afc[...] = jnp.zeros_like(afc)
        acc_[...] = jnp.zeros_like(acc_)
        asf[...] = jnp.zeros_like(asf)
        asc[...] = jnp.zeros_like(asc)

    aff[...] += gffc
    afc[...] += gfcc
    acc_[...] += gccc
    asf[...] += sfc
    asc[...] += scc

    @pl.when(b == B - 1)
    def _():
        gff_ref[...] = aff[...]
        gfc_ref[...] = afc[...]
        gcc_ref[...] = acc_[...]
        sf_ref[...] = asf[...]
        sc_ref[...] = asc[...]


def _run_mask(new_xyz_t, xyz, fps3, seeds_lo, seeds_hi, feat3):
    return pl.pallas_call(
        _mask_body,
        grid=(B,),
        in_specs=[
            pl.BlockSpec((1, NPOINT, 3), lambda b: (b, 0, 0)),
            pl.BlockSpec((1, 3, N), lambda b: (b, 0, 0)),
            pl.BlockSpec((1, NPOINT, 1), lambda b: (b, 0, 0)),
            pl.BlockSpec((1, 1, N), lambda b: (b, 0, 0)),
            pl.BlockSpec((1, 1, N), lambda b: (b, 0, 0)),
            pl.BlockSpec((1, N, FW), lambda b: (b, 0, 0)),
        ],
        out_specs=[
            pl.BlockSpec((1, 1, NPOINT), lambda b: (b, 0, 0)),
            pl.BlockSpec((FW, FW), lambda b: (0, 0)),
            pl.BlockSpec((FW, 3), lambda b: (0, 0)),
            pl.BlockSpec((3, 3), lambda b: (0, 0)),
            pl.BlockSpec((1, FW), lambda b: (0, 0)),
            pl.BlockSpec((1, 3), lambda b: (0, 0)),
        ],
        out_shape=[
            jax.ShapeDtypeStruct((B, 1, NPOINT), jnp.int32),
            jax.ShapeDtypeStruct((FW, FW), jnp.float32),
            jax.ShapeDtypeStruct((FW, 3), jnp.float32),
            jax.ShapeDtypeStruct((3, 3), jnp.float32),
            jax.ShapeDtypeStruct((1, FW), jnp.float32),
            jax.ShapeDtypeStruct((1, 3), jnp.float32),
        ],
        scratch_shapes=[
            pltpu.VMEM((FW, FW), jnp.float32),
            pltpu.VMEM((FW, 3), jnp.float32),
            pltpu.VMEM((3, 3), jnp.float32),
            pltpu.VMEM((1, FW), jnp.float32),
            pltpu.VMEM((1, 3), jnp.float32),
        ],
    )(new_xyz_t, xyz, fps3, seeds_lo, seeds_hi, feat3)


GROUP = 128
NGRP = RPW * NSAMPLE // GROUP


def _sc_body(idx_hbm, feat_hbm, x_hbm, ib0, ib1, rb0, rb1, sem0, sem1):
    cid = lax.axis_index("c")
    sid = lax.axis_index("s")
    w = sid * 2 + cid
    base = w * RPW * NSAMPLE

    pltpu.sync_copy(idx_hbm.at[pl.ds(base, GROUP)], ib0)
    pltpu.async_copy(feat_hbm.at[ib0], rb0, sem0)

    def g_it(h, carry):
        g0 = 2 * h
        pltpu.sync_copy(idx_hbm.at[pl.ds(base + (g0 + 1) * GROUP, GROUP)], ib1)
        pltpu.async_copy(feat_hbm.at[ib1], rb1, sem1)
        pltpu.make_async_copy(feat_hbm.at[ib0], rb0, sem0).wait()
        pltpu.sync_copy(rb0, x_hbm.at[pl.ds(base + g0 * GROUP, GROUP)])

        @pl.when(g0 + 2 < NGRP)
        def _():
            pltpu.sync_copy(idx_hbm.at[pl.ds(base + (g0 + 2) * GROUP, GROUP)],
                            ib0)
            pltpu.async_copy(feat_hbm.at[ib0], rb0, sem0)

        pltpu.make_async_copy(feat_hbm.at[ib1], rb1, sem1).wait()
        pltpu.sync_copy(rb1, x_hbm.at[pl.ds(base + (g0 + 1) * GROUP, GROUP)])
        return carry

    lax.fori_loop(0, NGRP // 2, g_it, 0)


def _run_sc(idxflat, feat):
    mesh = plsc.VectorSubcoreMesh(core_axis_name="c", subcore_axis_name="s")
    f = pl.kernel(
        _sc_body,
        out_type=jax.ShapeDtypeStruct((P, FW), jnp.float32),
        mesh=mesh,
        scratch_types=[
            pltpu.VMEM((GROUP,), jnp.int32),
            pltpu.VMEM((GROUP,), jnp.int32),
            pltpu.VMEM((GROUP, FW), jnp.float32),
            pltpu.VMEM((GROUP, FW), jnp.float32),
            pltpu.SemaphoreType.DMA,
            pltpu.SemaphoreType.DMA,
        ],
    )
    return f(idxflat, feat)


def _expand_mat():
    return (jax.lax.broadcasted_iota(jnp.int32, (RB, GB), 0) // NSAMPLE
            == jax.lax.broadcasted_iota(jnp.int32, (RB, GB), 1)
            ).astype(jnp.float32)


def _m1_body(x_ref, c_ref, gff_ref, gfc_ref, gcc_ref, sf_ref, sc_ref,
             aff, afc, acc_, asf, asc):
    g = pl.program_id(0)
    x = x_ref[...]
    ce = jax.lax.dot_general(_expand_mat(), c_ref[...], (((1,), (0,)), ((), ())),
                             preferred_element_type=jnp.float32)
    gffc = jax.lax.dot_general(x, x, (((0,), (0,)), ((), ())),
                               preferred_element_type=jnp.float32)
    gfcc = jax.lax.dot_general(x, ce, (((0,), (0,)), ((), ())),
                               preferred_element_type=jnp.float32)
    gccc = jax.lax.dot_general(ce, ce, (((0,), (0,)), ((), ())),
                               preferred_element_type=jnp.float32)
    sfc = jnp.sum(x, axis=0, keepdims=True)
    scc = jnp.sum(ce, axis=0, keepdims=True)

    @pl.when(g == 0)
    def _():
        aff[...] = jnp.zeros_like(aff)
        afc[...] = jnp.zeros_like(afc)
        acc_[...] = jnp.zeros_like(acc_)
        asf[...] = jnp.zeros_like(asf)
        asc[...] = jnp.zeros_like(asc)

    aff[...] += gffc
    afc[...] += gfcc
    acc_[...] += gccc
    asf[...] += sfc
    asc[...] += scc

    @pl.when(g == NBLK - 1)
    def _():
        gff_ref[...] = aff[...]
        gfc_ref[...] = afc[...]
        gcc_ref[...] = acc_[...]
        sf_ref[...] = asf[...]
        sc_ref[...] = asc[...]


def _run_m1(X, cxyz):
    return pl.pallas_call(
        _m1_body,
        grid=(NBLK,),
        in_specs=[
            pl.BlockSpec((RB, FW), lambda g: (g, 0)),
            pl.BlockSpec((GB, 3), lambda g: (g, 0)),
        ],
        out_specs=[
            pl.BlockSpec((FW, FW), lambda g: (0, 0)),
            pl.BlockSpec((FW, 3), lambda g: (0, 0)),
            pl.BlockSpec((3, 3), lambda g: (0, 0)),
            pl.BlockSpec((1, FW), lambda g: (0, 0)),
            pl.BlockSpec((1, 3), lambda g: (0, 0)),
        ],
        out_shape=[
            jax.ShapeDtypeStruct((FW, FW), jnp.float32),
            jax.ShapeDtypeStruct((FW, 3), jnp.float32),
            jax.ShapeDtypeStruct((3, 3), jnp.float32),
            jax.ShapeDtypeStruct((1, FW), jnp.float32),
            jax.ShapeDtypeStruct((1, 3), jnp.float32),
        ],
        scratch_shapes=[
            pltpu.VMEM((FW, FW), jnp.float32),
            pltpu.VMEM((FW, 3), jnp.float32),
            pltpu.VMEM((3, 3), jnp.float32),
            pltpu.VMEM((1, FW), jnp.float32),
            pltpu.VMEM((1, 3), jnp.float32),
        ],
    )(X, cxyz)


def _mlp0_body(x_ref, c_ref, vf_ref, vc_ref, b_ref, gm_ref, be_ref,
               gff_ref, gfc_ref, gcc_ref, sf_ref, sc_ref,
               z_ref, g1_ref, s1_ref, wf_s, wc_s, brow_s, ag1, as1):
    g = pl.program_id(0)
    cout = vf_ref.shape[0]

    @pl.when(g == 0)
    def _():
        vf = vf_ref[...]
        vc = vc_ref[...]
        invp = jnp.float32(1.0 / P)
        ml = (lax.dot_general(sf_ref[...], vf, (((1,), (1,)), ((), ())),
                              preferred_element_type=jnp.float32)
              + lax.dot_general(sc_ref[...], vc, (((1,), (1,)), ((), ())),
                                preferred_element_type=jnp.float32)) * invp
        t1 = lax.dot_general(vf, gff_ref[...], (((1,), (0,)), ((), ())),
                             preferred_element_type=jnp.float32)
        q = jnp.sum(t1 * vf, axis=1, keepdims=True)
        t2 = lax.dot_general(vf, gfc_ref[...], (((1,), (0,)), ((), ())),
                             preferred_element_type=jnp.float32)
        q = q + 2.0 * jnp.sum(t2 * vc, axis=1, keepdims=True)
        t3 = lax.dot_general(vc, gcc_ref[...], (((1,), (0,)), ((), ())),
                             preferred_element_type=jnp.float32)
        q = q + jnp.sum(t3 * vc, axis=1, keepdims=True)
        eye = _eye(cout)
        qrow = lax.dot_general(q, eye, (((0,), (0,)), ((), ())),
                               preferred_element_type=jnp.float32)
        var = qrow * invp - ml * ml
        a = gm_ref[...] / jnp.sqrt(var + 1e-5)
        brow_s[...] = a * (-ml) + be_ref[...]
        acol = lax.dot_general(eye, a, (((1,), (1,)), ((), ())),
                               preferred_element_type=jnp.float32)
        wf_s[...] = vf_ref[...] * acol
        wc_s[...] = vc_ref[...] * acol

    x = x_ref[...]
    ce = jax.lax.dot_general(_expand_mat(), c_ref[...], (((1,), (0,)), ((), ())),
                             preferred_element_type=jnp.float32)
    y = (lax.dot_general(x, wf_s[...], (((1,), (1,)), ((), ())),
                         preferred_element_type=jnp.float32)
         + lax.dot_general(ce, wc_s[...], (((1,), (1,)), ((), ())),
                           preferred_element_type=jnp.float32)
         + brow_s[...])
    z = jnp.maximum(y, 0.0)
    z_ref[...] = z
    g1c = lax.dot_general(z, z, (((0,), (0,)), ((), ())),
                          preferred_element_type=jnp.float32)
    s1c = jnp.sum(z, axis=0, keepdims=True)

    @pl.when(g == 0)
    def _():
        ag1[...] = jnp.zeros_like(ag1)
        as1[...] = jnp.zeros_like(as1)

    ag1[...] += g1c
    as1[...] += s1c

    @pl.when(g == NBLK - 1)
    def _():
        g1_ref[...] = ag1[...]
        s1_ref[...] = as1[...]


def _run_mlp0(x, cxyz, vf, vc, brow, grow, berow, gff, gfc, gcc, sf, sc_):
    cout = vf.shape[0]
    return pl.pallas_call(
        _mlp0_body,
        grid=(NBLK,),
        in_specs=[
            pl.BlockSpec((RB, FW), lambda g: (g, 0)),
            pl.BlockSpec((GB, 3), lambda g: (g, 0)),
            pl.BlockSpec((cout, FW), lambda g: (0, 0)),
            pl.BlockSpec((cout, 3), lambda g: (0, 0)),
            pl.BlockSpec((1, cout), lambda g: (0, 0)),
            pl.BlockSpec((1, cout), lambda g: (0, 0)),
            pl.BlockSpec((1, cout), lambda g: (0, 0)),
            pl.BlockSpec((FW, FW), lambda g: (0, 0)),
            pl.BlockSpec((FW, 3), lambda g: (0, 0)),
            pl.BlockSpec((3, 3), lambda g: (0, 0)),
            pl.BlockSpec((1, FW), lambda g: (0, 0)),
            pl.BlockSpec((1, 3), lambda g: (0, 0)),
        ],
        out_specs=[
            pl.BlockSpec((RB, cout), lambda g: (g, 0)),
            pl.BlockSpec((cout, cout), lambda g: (0, 0)),
            pl.BlockSpec((1, cout), lambda g: (0, 0)),
        ],
        out_shape=[
            jax.ShapeDtypeStruct((P, cout), jnp.float32),
            jax.ShapeDtypeStruct((cout, cout), jnp.float32),
            jax.ShapeDtypeStruct((1, cout), jnp.float32),
        ],
        scratch_shapes=[
            pltpu.VMEM((cout, FW), jnp.float32),
            pltpu.VMEM((cout, 3), jnp.float32),
            pltpu.VMEM((1, cout), jnp.float32),
            pltpu.VMEM((cout, cout), jnp.float32),
            pltpu.VMEM((1, cout), jnp.float32),
        ],
    )(x, cxyz, vf, vc, brow, grow, berow, gff, gfc, gcc, sf, sc_)


def _eye(n):
    return (jax.lax.broadcasted_iota(jnp.int32, (n, n), 0)
            == jax.lax.broadcasted_iota(jnp.int32, (n, n), 1)).astype(jnp.float32)


def _mlp_body(cin, cout, last, x_ref, v_ref, b_ref, gm_ref, be_ref,
              gp_ref, sp_ref, *rest):
    if last:
        z_ref, wf_s, brow_s = rest
    else:
        z_ref, g1_ref, s1_ref, wf_s, brow_s, ag1, as1 = rest
    g = pl.program_id(0)

    @pl.when(g == 0)
    def _():
        v = v_ref[...]
        gp = gp_ref[...]
        sp = sp_ref[...]
        invp = jnp.float32(1.0 / P)
        ml = lax.dot_general(sp, v, (((1,), (1,)), ((), ())),
                             preferred_element_type=jnp.float32) * invp
        t1 = lax.dot_general(v, gp, (((1,), (0,)), ((), ())),
                             preferred_element_type=jnp.float32)
        q = jnp.sum(t1 * v, axis=1, keepdims=True)
        eye = _eye(cout)
        qrow = lax.dot_general(q, eye, (((0,), (0,)), ((), ())),
                               preferred_element_type=jnp.float32)
        var = qrow * invp - ml * ml
        a = gm_ref[...] / jnp.sqrt(var + 1e-5)
        mean = ml + b_ref[...]
        brow_s[...] = a * (b_ref[...] - mean) + be_ref[...]
        acol = lax.dot_general(eye, a, (((1,), (1,)), ((), ())),
                               preferred_element_type=jnp.float32)
        wf_s[...] = v * acol

    x = x_ref[...]
    y = lax.dot_general(x, wf_s[...], (((1,), (1,)), ((), ())),
                        preferred_element_type=jnp.float32) + brow_s[...]
    z = jnp.maximum(y, 0.0)

    if last:
        z_ref[...] = jnp.max(z.reshape(GB, NSAMPLE, cout), axis=1)
    else:
        z_ref[...] = z
        g1c = lax.dot_general(z, z, (((0,), (0,)), ((), ())),
                              preferred_element_type=jnp.float32)
        s1c = jnp.sum(z, axis=0, keepdims=True)

        @pl.when(g == 0)
        def _():
            ag1[...] = jnp.zeros_like(ag1)
            as1[...] = jnp.zeros_like(as1)

        ag1[...] += g1c
        as1[...] += s1c

        @pl.when(g == NBLK - 1)
        def _():
            g1_ref[...] = ag1[...]
            s1_ref[...] = as1[...]


def _run_mlp_layer(x, v, brow, grow, berow, gp, sp, last=False):
    cin = x.shape[1]
    cout = v.shape[0]
    small = [
        pl.BlockSpec((cout, cin), lambda g: (0, 0)),
        pl.BlockSpec((1, cout), lambda g: (0, 0)),
        pl.BlockSpec((1, cout), lambda g: (0, 0)),
        pl.BlockSpec((1, cout), lambda g: (0, 0)),
        pl.BlockSpec((cin, cin), lambda g: (0, 0)),
        pl.BlockSpec((1, cin), lambda g: (0, 0)),
    ]
    if last:
        out_specs = pl.BlockSpec((GB, cout), lambda g: (g, 0))
        out_shape = jax.ShapeDtypeStruct((NROWS, cout), jnp.float32)
        scratch = [pltpu.VMEM((cout, cin), jnp.float32),
                   pltpu.VMEM((1, cout), jnp.float32)]
    else:
        out_specs = [
            pl.BlockSpec((RB, cout), lambda g: (g, 0)),
            pl.BlockSpec((cout, cout), lambda g: (0, 0)),
            pl.BlockSpec((1, cout), lambda g: (0, 0)),
        ]
        out_shape = [
            jax.ShapeDtypeStruct((P, cout), jnp.float32),
            jax.ShapeDtypeStruct((cout, cout), jnp.float32),
            jax.ShapeDtypeStruct((1, cout), jnp.float32),
        ]
        scratch = [pltpu.VMEM((cout, cin), jnp.float32),
                   pltpu.VMEM((1, cout), jnp.float32),
                   pltpu.VMEM((cout, cout), jnp.float32),
                   pltpu.VMEM((1, cout), jnp.float32)]

    def body(*refs):
        _mlp_body(cin, cout, last, *refs)

    return pl.pallas_call(
        body,
        grid=(NBLK,),
        in_specs=[pl.BlockSpec((RB, cin), lambda g: (g, 0))] + small,
        out_specs=out_specs,
        out_shape=out_shape,
        scratch_shapes=scratch,
    )(x, v, brow, grow, berow, gp, sp)


def kernel(xyz, points, seed_inds, W0, b0, gamma0, beta0,
           W1, b1, gamma1, beta1, W2, b2, gamma2, beta2):
    fps_idx, nx, ny, nz = _run_fps(xyz)
    new_xyz_t = jnp.stack([nx, ny, nz], axis=-1)
    seeds32 = seed_inds.astype(jnp.int32)
    seeds_lo = (seeds32 % 256).astype(jnp.float32).reshape(B, 1, N)
    seeds_hi = (seeds32 // 256).astype(jnp.float32).reshape(B, 1, N)
    feat3 = jnp.concatenate(
        [xyz.transpose(0, 2, 1), points.transpose(0, 2, 1),
         jnp.zeros((B, N, FW - 67), jnp.float32)], axis=-1)
    idx_out = _run_sel(new_xyz_t, xyz)
    X = _run_sc(idx_out.reshape(-1), feat3.reshape(B * N, FW))
    seed_g, Gff, Gfc, Gcc, sf, sc_ = _run_mask(
        new_xyz_t, xyz, fps_idx.reshape(B, NPOINT, 1),
        seeds_lo, seeds_hi, feat3)
    cxyz = new_xyz_t.reshape(NROWS, 3)

    co0 = W0.shape[0]
    Vf = jnp.concatenate(
        [W0, jnp.zeros((co0, FW - 67), jnp.float32)], axis=1)
    Vc = -W0[:, :3]
    z0, G1, s1 = _run_mlp0(X, cxyz, Vf, Vc, b0.reshape(1, -1),
                           gamma0.reshape(1, -1), beta0.reshape(1, -1),
                           Gff, Gfc, Gcc, sf, sc_)
    z1, G2, s2 = _run_mlp_layer(z0, W1, b1.reshape(1, -1),
                                gamma1.reshape(1, -1), beta1.reshape(1, -1),
                                G1, s1)
    Y = _run_mlp_layer(z1, W2, b2.reshape(1, -1),
                       gamma2.reshape(1, -1), beta2.reshape(1, -1),
                       G2, s2, last=True)

    new_points_out = Y.reshape(B, NPOINT, W2.shape[0]).transpose(0, 2, 1)
    new_xyz_out = jnp.stack([nx, ny, nz], axis=1)
    this_seed = seed_g.reshape(B, NPOINT).astype(seed_inds.dtype)
    return (new_xyz_out, new_points_out, this_seed)

# --- scband reference (transcript-rebuilt; emitter-appended) ---
"""Pipeline reference for scband-point-net-set-abstraction-82471962018515 (READ-ONLY COPY).

The authoritative reference and input builder live on the scoring server;
editing this copy changes nothing except your own understanding.
"""

import jax, jax.numpy as jnp
import numpy as np

B, N, DPTS = 8, 2048, 64
NPOINT, RADIUS, NSAMPLE = 512, 0.2, 32
MLP = [64, 64, 128]
IN_CH = 3 + DPTS


def setup_inputs(seed: int = 0) -> dict:
    key = jax.random.key(seed)
    ks = jax.random.split(key, 20)
    inp = {}
    inp['xyz'] = jax.random.uniform(ks[0], (B, 3, N), dtype=jnp.float32)
    inp['points'] = jax.random.normal(ks[1], (B, DPTS, N), dtype=jnp.float32)
    inp['seed_inds'] = jax.random.randint(ks[2], (B, N), 0, N)
    last = IN_CH
    k = 3
    for i, out in enumerate(MLP):
        inp[f'W{i}'] = jax.random.normal(ks[k], (out, last), dtype=jnp.float32) / np.sqrt(last)
        inp[f'b{i}'] = jnp.zeros((out,), dtype=jnp.float32)
        inp[f'gamma{i}'] = jnp.ones((out,), dtype=jnp.float32)
        inp[f'beta{i}'] = jnp.zeros((out,), dtype=jnp.float32)
        last = out
        k += 1
    return inp


def square_distance(src, dst):
    dist = -2.0 * jnp.matmul(src, dst.transpose(0, 2, 1))
    dist = dist + jnp.sum(src ** 2, -1)[:, :, None]
    dist = dist + jnp.sum(dst ** 2, -1)[:, None, :]
    return dist


def index_points(points, idx):
    return jax.vmap(lambda p, i: p[i])(points, idx)


def farthest_point_sample(xyz, npoint):
    Bv, Nv, _ = xyz.shape

    def body(i, state):
        centroids, distance, farthest = state
        centroids = jax.lax.dynamic_update_slice(centroids, farthest[:, None], (0, i))
        centroid = jnp.take_along_axis(xyz, farthest[:, None, None], axis=1)
        dist = jnp.sum((xyz - centroid) ** 2, -1)
        distance = jnp.minimum(distance, dist)
        farthest = jnp.argmax(distance, -1).astype(jnp.int32)
        return (centroids, distance, farthest)

    centroids0 = jnp.zeros((Bv, npoint), dtype=jnp.int32)
    distance0 = jnp.full((Bv, Nv), 1e10, dtype=jnp.float32)
    farthest0 = jnp.zeros((Bv,), dtype=jnp.int32)
    centroids, _, _ = jax.lax.fori_loop(0, npoint, body, (centroids0, distance0, farthest0))
    return centroids


def query_ball_point(radius, nsample, xyz, new_xyz):
    Bv, Nv, _ = xyz.shape
    Sv = new_xyz.shape[1]
    group_idx = jnp.broadcast_to(jnp.arange(Nv, dtype=jnp.int32), (Bv, Sv, Nv))
    sqrdists = square_distance(new_xyz, xyz)
    group_idx = jnp.where(sqrdists > radius ** 2, Nv, group_idx)
    group_idx = jnp.sort(group_idx, axis=-1)[:, :, :nsample]
    group_first = jnp.broadcast_to(group_idx[:, :, 0:1], group_idx.shape)
    group_idx = jnp.where(group_idx == Nv, group_first, group_idx)
    return group_idx


def reference(xyz, points, seed_inds, W0, b0, gamma0, beta0, W1, b1, gamma1, beta1, W2, b2, gamma2, beta2):
    xyz_t = xyz.transpose(0, 2, 1)
    pts_t = points.transpose(0, 2, 1)
    fps_idx = farthest_point_sample(xyz_t, NPOINT)
    this_seed_inds = jnp.take_along_axis(seed_inds, fps_idx, axis=1)
    new_xyz = index_points(xyz_t, fps_idx)
    idx = query_ball_point(RADIUS, NSAMPLE, xyz_t, new_xyz)
    grouped_xyz = index_points(xyz_t, idx)
    grouped_norm = grouped_xyz - new_xyz[:, :, None, :]
    grouped_pts = index_points(pts_t, idx)
    new_points = jnp.concatenate([grouped_norm, grouped_pts], axis=-1)
    x = new_points.transpose(0, 3, 2, 1)
    for (W, b, g, be) in ((W0, b0, gamma0, beta0), (W1, b1, gamma1, beta1), (W2, b2, gamma2, beta2)):
        x = jnp.einsum('oc,bcns->bons', W, x) + b[None, :, None, None]
        mean = jnp.mean(x, axis=(0, 2, 3), keepdims=True)
        var = jnp.var(x, axis=(0, 2, 3), keepdims=True)
        x = (x - mean) / jnp.sqrt(var + 1e-5) * g[None, :, None, None] + be[None, :, None, None]
        x = jax.nn.relu(x)
    new_points_out = jnp.max(x, axis=2)
    new_xyz_out = new_xyz.transpose(0, 2, 1)
    return (new_xyz_out, new_points_out, this_seed_inds)


if False:  # reference __main__ guard neutralized (emitter)
    out = reference(**setup_inputs())
    print([o.shape for o in out])

if __name__ == "__main__":
    import jax
    _d = setup_inputs()
    print(jax.jit(kernel)(*tuple(_d.values())))

</pallas_src>

<mosaic_0001>
#map = affine_map<(d0, d1) -> (0)>
#map1 = affine_map<(d0, d1) -> (0, 0)>
module attributes {stable_mosaic.version = 14 : i64} {
  func.func @_sc_body(%arg0: i32, %arg1: i32, %arg2: memref<131072xi32, #tpu.memory_space<hbm>>, %arg3: memref<16384x128xf32, #tpu.memory_space<hbm>>, %arg4: memref<131072x128xf32, #tpu.memory_space<hbm>>, %arg5: memref<128xi32, #tpu.memory_space<vmem>>, %arg6: memref<128xi32, #tpu.memory_space<vmem>>, %arg7: memref<128x128xf32, #tpu.memory_space<vmem>>, %arg8: memref<128x128xf32, #tpu.memory_space<vmem>>, %arg9: memref<!tpu.dma_semaphore, #tpu.memory_space<semaphore_mem>>, %arg10: memref<!tpu.dma_semaphore, #tpu.memory_space<semaphore_mem>>) attributes {dimension_semantics = [#tpu.dimension_semantics<core_parallel>, #tpu.dimension_semantics<subcore_parallel>], iteration_bounds = array<i64: 2, 16>, scalar_prefetch = 0 : i64, scratch_operands = 6 : i64, tpu.core_type = #tpu.core_type<sc_vector_subcore>, window_params = [{transform_indices = #map}, {transform_indices = #map1}, {transform_indices = #map1}]} {
    %mul3A = arith.constant 2 : i32
    %mul3A_0 = arith.muli %arg1, %mul3A : i32
    %add3A = arith.addi %mul3A_0, %arg0 : i32
    %mul3A_1 = arith.constant 128 : i32
    %mul3A_2 = arith.muli %add3A, %mul3A_1 : i32
    %mul3A_3 = arith.constant 32 : i32
    %mul3A_4 = arith.muli %mul3A_2, %mul3A_3 : i32
    "tpu.region"() ({
      %run_scoped3A = tpu.sem_alloc : memref<!tpu.dma_semaphore, #tpu.memory_space<semaphore_mem>>
      %dma_start3A_12 = tpu.memref_slice %arg2[%mul3A_4] : memref<131072xi32, #tpu.memory_space<hbm>> -> memref<128xi32, #tpu.memory_space<hbm>>
      %dma_start3A_13 = tpu.memref_slice %arg2[%mul3A_4] : memref<131072xi32, #tpu.memory_space<hbm>> -> memref<128xi32, #tpu.memory_space<hbm>>
      tpu.enqueue_dma source(%dma_start3A_13 : memref<128xi32, #tpu.memory_space<hbm>>) target(%arg5 : memref<128xi32, #tpu.memory_space<vmem>>) target_semaphore(%run_scoped3A : memref<!tpu.dma_semaphore, #tpu.memory_space<semaphore_mem>>)
      %dma_wait3A = tpu.memref_slice %arg2[%mul3A_4] : memref<131072xi32, #tpu.memory_space<hbm>> -> memref<128xi32, #tpu.memory_space<hbm>>
      %dma_wait3A_14 = tpu.memref_slice %arg2[%mul3A_4] : memref<131072xi32, #tpu.memory_space<hbm>> -> memref<128xi32, #tpu.memory_space<hbm>>
      tpu.wait_dma2 semaphore(%run_scoped3A : memref<!tpu.dma_semaphore, #tpu.memory_space<semaphore_mem>>) src(%dma_wait3A_14 : memref<128xi32, #tpu.memory_space<hbm>>) dst(%arg5 : memref<128xi32, #tpu.memory_space<vmem>>)
      tpu.yield
    }) : () -> ()
    %dma_start3A = arith.constant 0 : i32
    %dma_start3A_5 = arith.constant 0 : i32
    %dma_start3A_6 = tpu.memref_slice %arg3[%dma_start3A, %dma_start3A_5] : memref<16384x128xf32, #tpu.memory_space<hbm>> -> memref<16384x128xf32, #tpu.memory_space<hbm>>
    tpu.enqueue_indirect_dma source(%dma_start3A_6 : memref<16384x128xf32, #tpu.memory_space<hbm>>) target(%arg7 : memref<128x128xf32, #tpu.memory_space<vmem>>) offsets(%arg5 : memref<128xi32, #tpu.memory_space<vmem>>) semaphore(%arg9 : memref<!tpu.dma_semaphore, #tpu.memory_space<semaphore_mem>>)
    %scan3A = arith.constant 0 : i32
    %scan3A_7 = arith.constant 0 : i32
    %scan3A_8 = arith.constant 16 : i32
    %scan3A_9 = arith.addi %scan3A_7, %scan3A_8 : i32
    %scan3A_10 = arith.constant 1 : i32
    scf.for %scan3A_12 = %scan3A_7 to %scan3A_9 step %scan3A_10  : i32 {
      %mul3A_13 = arith.constant 2 : i32
      %mul3A_14 = arith.muli %mul3A_13, %scan3A_12 : i32
      %add3A_15 = arith.constant 1 : i32
      %add3A_16 = arith.addi %mul3A_14, %add3A_15 : i32
      %mul3A_17 = arith.constant 128 : i32
      %mul3A_18 = arith.muli %add3A_16, %mul3A_17 : i32
      %add3A_19 = arith.addi %mul3A_4, %mul3A_18 : i32
      "tpu.region"() ({
        %run_scoped3A = tpu.sem_alloc : memref<!tpu.dma_semaphore, #tpu.memory_space<semaphore_mem>>
        %dma_start3A_40 = tpu.memref_slice %arg2[%add3A_19] : memref<131072xi32, #tpu.memory_space<hbm>> -> memref<128xi32, #tpu.memory_space<hbm>>
        %dma_start3A_41 = tpu.memref_slice %arg2[%add3A_19] : memref<131072xi32, #tpu.memory_space<hbm>> -> memref<128xi32, #tpu.memory_space<hbm>>
        tpu.enqueue_dma source(%dma_start3A_41 : memref<128xi32, #tpu.memory_space<hbm>>) target(%arg6 : memref<128xi32, #tpu.memory_space<vmem>>) target_semaphore(%run_scoped3A : memref<!tpu.dma_semaphore, #tpu.memory_space<semaphore_mem>>)
        %dma_wait3A_42 = tpu.memref_slice %arg2[%add3A_19] : memref<131072xi32, #tpu.memory_space<hbm>> -> memref<128xi32, #tpu.memory_space<hbm>>
        %dma_wait3A_43 = tpu.memref_slice %arg2[%add3A_19] : memref<131072xi32, #tpu.memory_space<hbm>> -> memref<128xi32, #tpu.memory_space<hbm>>
        tpu.wait_dma2 semaphore(%run_scoped3A : memref<!tpu.dma_semaphore, #tpu.memory_space<semaphore_mem>>) src(%dma_wait3A_43 : memref<128xi32, #tpu.memory_space<hbm>>) dst(%arg6 : memref<128xi32, #tpu.memory_space<vmem>>)
        tpu.yield
      }) : () -> ()
      %dma_start3A_20 = arith.constant 0 : i32
      %dma_start3A_21 = arith.constant 0 : i32
      %dma_start3A_22 = tpu.memref_slice %arg3[%dma_start3A_20, %dma_start3A_21] : memref<16384x128xf32, #tpu.memory_space<hbm>> -> memref<16384x128xf32, #tpu.memory_space<hbm>>
      tpu.enqueue_indirect_dma source(%dma_start3A_22 : memref<16384x128xf32, #tpu.memory_space<hbm>>) target(%arg8 : memref<128x128xf32, #tpu.memory_space<vmem>>) offsets(%arg6 : memref<128xi32, #tpu.memory_space<vmem>>) semaphore(%arg10 : memref<!tpu.dma_semaphore, #tpu.memory_space<semaphore_mem>>)
      %dma_wait3A = arith.constant 0 : i32
      %dma_wait3A_23 = arith.constant 0 : i32
      %dma_wait3A_24 = tpu.memref_slice %arg3[%dma_wait3A, %dma_wait3A_23] : memref<16384x128xf32, #tpu.memory_space<hbm>> -> memref<16384x128xf32, #tpu.memory_space<hbm>>
      tpu.wait_indirect_dma semaphore(%arg9 : memref<!tpu.dma_semaphore, #tpu.memory_space<semaphore_mem>>) src(%dma_wait3A_24 : memref<16384x128xf32, #tpu.memory_space<hbm>>) dst(%arg7 : memref<128x128xf32, #tpu.memory_space<vmem>>)
      %mul3A_25 = arith.constant 128 : i32
      %mul3A_26 = arith.muli %mul3A_14, %mul3A_25 : i32
      %add3A_27 = arith.addi %mul3A_4, %mul3A_26 : i32
      "tpu.region"() ({
        %run_scoped3A = tpu.sem_alloc : memref<!tpu.dma_semaphore, #tpu.memory_space<semaphore_mem>>
        %dma_start3A_40 = arith.constant 0 : i32
        %dma_start3A_41 = tpu.memref_slice %arg4[%add3A_27, %dma_start3A_40] : memref<131072x128xf32, #tpu.memory_space<hbm>> -> memref<128x128xf32, #tpu.memory_space<hbm>>
        %dma_start3A_42 = arith.constant 0 : i32
        %dma_start3A_43 = tpu.memref_slice %arg4[%add3A_27, %dma_start3A_42] : memref<131072x128xf32, #tpu.memory_space<hbm>> -> memref<128x128xf32, #tpu.memory_space<hbm>>
        tpu.enqueue_dma source(%arg7 : memref<128x128xf32, #tpu.memory_space<vmem>>) target(%dma_start3A_43 : memref<128x128xf32, #tpu.memory_space<hbm>>) target_semaphore(%run_scoped3A : memref<!tpu.dma_semaphore, #tpu.memory_space<semaphore_mem>>)
        %dma_wait3A_44 = arith.constant 0 : i32
        %dma_wait3A_45 = tpu.memref_slice %arg4[%add3A_27, %dma_wait3A_44] : memref<131072x128xf32, #tpu.memory_space<hbm>> -> memref<128x128xf32, #tpu.memory_space<hbm>>
        %dma_wait3A_46 = arith.constant 0 : i32
        %dma_wait3A_47 = tpu.memref_slice %arg4[%add3A_27, %dma_wait3A_46] : memref<131072x128xf32, #tpu.memory_space<hbm>> -> memref<128x128xf32, #tpu.memory_space<hbm>>
        tpu.wait_dma2 semaphore(%run_scoped3A : memref<!tpu.dma_semaphore, #tpu.memory_space<semaphore_mem>>) src(%arg7 : memref<128x128xf32, #tpu.memory_space<vmem>>) dst(%dma_wait3A_47 : memref<128x128xf32, #tpu.memory_space<hbm>>)
        tpu.yield
      }) : () -> ()
      %add3A_28 = arith.constant 2 : i32
      %add3A_29 = arith.addi %mul3A_14, %add3A_28 : i32
      %lt3A = arith.constant 32 : i32
      %lt3A_30 = arith.cmpi slt, %add3A_29, %lt3A : i32
      %convert_element_type3A = arith.extui %lt3A_30 : i1 to i32
      %cond3A = arith.constant 0 : i32
      %cond3A_31 = arith.cmpi ne, %convert_element_type3A, %cond3A : i32
      scf.if %cond3A_31 {
        %add3A_40 = arith.constant 2 : i32
        %add3A_41 = arith.addi %mul3A_14, %add3A_40 : i32
        %mul3A_42 = arith.constant 128 : i32
        %mul3A_43 = arith.muli %add3A_41, %mul3A_42 : i32
        %add3A_44 = arith.addi %mul3A_4, %mul3A_43 : i32
        "tpu.region"() ({
          %run_scoped3A = tpu.sem_alloc : memref<!tpu.dma_semaphore, #tpu.memory_space<semaphore_mem>>
          %dma_start3A_48 = tpu.memref_slice %arg2[%add3A_44] : memref<131072xi32, #tpu.memory_space<hbm>> -> memref<128xi32, #tpu.memory_space<hbm>>
          %dma_start3A_49 = tpu.memref_slice %arg2[%add3A_44] : memref<131072xi32, #tpu.memory_space<hbm>> -> memref<128xi32, #tpu.memory_space<hbm>>
          tpu.enqueue_dma source(%dma_start3A_49 : memref<128xi32, #tpu.memory_space<hbm>>) target(%arg5 : memref<128xi32, #tpu.memory_space<vmem>>) target_semaphore(%run_scoped3A : memref<!tpu.dma_semaphore, #tpu.memory_space<semaphore_mem>>)
          %dma_wait3A_50 = tpu.memref_slice %arg2[%add3A_44] : memref<131072xi32, #tpu.memory_space<hbm>> -> memref<128xi32, #tpu.memory_space<hbm>>
          %dma_wait3A_51 = tpu.memref_slice %arg2[%add3A_44] : memref<131072xi32, #tpu.memory_space<hbm>> -> memref<128xi32, #tpu.memory_space<hbm>>
          tpu.wait_dma2 semaphore(%run_scoped3A : memref<!tpu.dma_semaphore, #tpu.memory_space<semaphore_mem>>) src(%dma_wait3A_51 : memref<128xi32, #tpu.memory_space<hbm>>) dst(%arg5 : memref<128xi32, #tpu.memory_space<vmem>>)
          tpu.yield
        }) : () -> ()
        %dma_start3A_45 = arith.constant 0 : i32
        %dma_start3A_46 = arith.constant 0 : i32
        %dma_start3A_47 = tpu.memref_slice %arg3[%dma_start3A_45, %dma_start3A_46] : memref<16384x128xf32, #tpu.memory_space<hbm>> -> memref<16384x128xf32, #tpu.memory_space<hbm>>
        tpu.enqueue_indirect_dma source(%dma_start3A_47 : memref<16384x128xf32, #tpu.memory_space<hbm>>) target(%arg7 : memref<128x128xf32, #tpu.memory_space<vmem>>) offsets(%arg5 : memref<128xi32, #tpu.memory_space<vmem>>) semaphore(%arg9 : memref<!tpu.dma_semaphore, #tpu.memory_space<semaphore_mem>>)
      } else {
      }
      %dma_wait3A_32 = arith.constant 0 : i32
      %dma_wait3A_33 = arith.constant 0 : i32
      %dma_wait3A_34 = tpu.memref_slice %arg3[%dma_wait3A_32, %dma_wait3A_33] : memref<16384x128xf32, #tpu.memory_space<hbm>> -> memref<16384x128xf32, #tpu.memory_space<hbm>>
      tpu.wait_indirect_dma semaphore(%arg10 : memref<!tpu.dma_semaphore, #tpu.memory_space<semaphore_mem>>) src(%dma_wait3A_34 : memref<16384x128xf32, #tpu.memory_space<hbm>>) dst(%arg8 : memref<128x128xf32, #tpu.memory_space<vmem>>)
      %add3A_35 = arith.constant 1 : i32
      %add3A_36 = arith.addi %mul3A_14, %add3A_35 : i32
      %mul3A_37 = arith.constant 128 : i32
      %mul3A_38 = arith.muli %add3A_36, %mul3A_37 : i32
      %add3A_39 = arith.addi %mul3A_4, %mul3A_38 : i32
      "tpu.region"() ({
        %run_scoped3A = tpu.sem_alloc : memref<!tpu.dma_semaphore, #tpu.memory_space<semaphore_mem>>
        %dma_start3A_40 = arith.constant 0 : i32
        %dma_start3A_41 = tpu.memref_slice %arg4[%add3A_39, %dma_start3A_40] : memref<131072x128xf32, #tpu.memory_space<hbm>> -> memref<128x128xf32, #tpu.memory_space<hbm>>
        %dma_start3A_42 = arith.constant 0 : i32
        %dma_start3A_43 = tpu.memref_slice %arg4[%add3A_39, %dma_start3A_42] : memref<131072x128xf32, #tpu.memory_space<hbm>> -> memref<128x128xf32, #tpu.memory_space<hbm>>
        tpu.enqueue_dma source(%arg8 : memref<128x128xf32, #tpu.memory_space<vmem>>) target(%dma_start3A_43 : memref<128x128xf32, #tpu.memory_space<hbm>>) target_semaphore(%run_scoped3A : memref<!tpu.dma_semaphore, #tpu.memory_space<semaphore_mem>>)
        %dma_wait3A_44 = arith.constant 0 : i32
        %dma_wait3A_45 = tpu.memref_slice %arg4[%add3A_39, %dma_wait3A_44] : memref<131072x128xf32, #tpu.memory_space<hbm>> -> memref<128x128xf32, #tpu.memory_space<hbm>>
        %dma_wait3A_46 = arith.constant 0 : i32
        %dma_wait3A_47 = tpu.memref_slice %arg4[%add3A_39, %dma_wait3A_46] : memref<131072x128xf32, #tpu.memory_space<hbm>> -> memref<128x128xf32, #tpu.memory_space<hbm>>
        tpu.wait_dma2 semaphore(%run_scoped3A : memref<!tpu.dma_semaphore, #tpu.memory_space<semaphore_mem>>) src(%arg8 : memref<128x128xf32, #tpu.memory_space<vmem>>) dst(%dma_wait3A_47 : memref<128x128xf32, #tpu.memory_space<hbm>>)
        tpu.yield
      }) : () -> ()
    }
    %scan3A_11 = arith.constant 16 : i32
    return
  }
}

module attributes {stable_mosaic.version = 14 : i64} {
  func.func @_fps_body(%arg0: memref<24x2048xf32, #tpu.memory_space<vmem>>, %arg1: memref<8x512xi32, #tpu.memory_space<vmem>>, %arg2: memref<8x512xf32, #tpu.memory_space<vmem>>, %arg3: memref<8x512xf32, #tpu.memory_space<vmem>>, %arg4: memref<8x512xf32, #tpu.memory_space<vmem>>) attributes {dimension_semantics = [], scalar_prefetch = 0 : i64, scratch_operands = 0 : i64, tpu.core_type = #tpu.core_type<tc>} {
    %get3A = arith.constant 0 : index
    %get3A_0 = arith.constant 0 : index
    %get3A_1 = vector.load %arg0[%get3A, %get3A_0] : memref<24x2048xf32, #tpu.memory_space<vmem>>, vector<24x2048xf32>
    %iota3A = tpu.iota {dimensions = array<i32: 1>} : vector<8x2048xi32>
    %iota3A_2 = tpu.iota {dimensions = array<i32: 1>} : vector<24x2048xi32>
    %iota3A_3 = tpu.iota {dimensions = array<i32: 1>} : vector<8x512xi32>
    %broadcast_in_dim3A = arith.constant 1.000000e+10 : f32
    %broadcast_in_dim3A_4 = vector.broadcast %broadcast_in_dim3A : f32 to vector<8x2048xf32>
    %slice3A = vector.extract_strided_slice %get3A_1 {offsets = [0, 0], sizes = [8, 2048], strides = [1, 1]} : vector<24x2048xf32> to vector<8x2048xf32>
    %mul3A = arith.constant 0.000000e+00 : f32
    %mul3A_5 = vector.broadcast %mul3A : f32 to vector<8x2048xf32>
    %mul3A_6 = arith.mulf %slice3A, %mul3A_5 : vector<8x2048xf32>
    %add3A = arith.addf %broadcast_in_dim3A_4, %mul3A_6 : vector<8x2048xf32>
    %reduce_min3A = arith.constant dense<2147483647> : vector<8xi32>
    %reduce_min3A_7 = vector.multi_reduction <minsi>, %iota3A, %reduce_min3A [1] : vector<8x2048xi32> to vector<8xi32>
    %broadcast_in_dim3A_8 = vector.shape_cast %reduce_min3A_7 : vector<8xi32> to vector<8x1xi32>
    %slice3A_9 = vector.extract_strided_slice %get3A_1 {offsets = [0, 0], sizes = [8, 512], strides = [1, 1]} : vector<24x2048xf32> to vector<8x512xf32>
    %mul3A_10 = arith.constant 0.000000e+00 : f32
    %mul3A_11 = vector.broadcast %mul3A_10 : f32 to vector<8x512xf32>
    %mul3A_12 = arith.mulf %slice3A_9, %mul3A_11 : vector<8x512xf32>
    %convert_element_type3A = arith.fptosi %mul3A_12 : vector<8x512xf32> to vector<8x512xi32>
    %scan3A = arith.constant 0 : i32
    %scan3A_13 = arith.constant 512 : i32
    %scan3A_14 = arith.addi %scan3A, %scan3A_13 : i32
    %scan3A_15 = arith.constant 1 : i32
    %scan3A_16:6 = scf.for %scan3A_29 = %scan3A to %scan3A_14 step %scan3A_15 iter_args(%scan3A_30 = %add3A, %scan3A_31 = %broadcast_in_dim3A_8, %scan3A_32 = %convert_element_type3A, %scan3A_33 = %mul3A_12, %scan3A_34 = %mul3A_12, %scan3A_35 = %mul3A_12) -> (vector<8x2048xf32>, vector<8x1xi32>, vector<8x512xi32>, vector<8x512xf32>, vector<8x512xf32>, vector<8x512xf32>)  : i32 {
      %concatenate3A = tpu.concatenate %scan3A_31, %scan3A_31, %scan3A_31 in 0 : vector<8x1xi32>, vector<8x1xi32>, vector<8x1xi32> -> vector<24x1xi32>
      %eq3A = vector.broadcast %concatenate3A : vector<24x1xi32> to vector<24x2048xi32>
      %eq3A_36 = arith.cmpi eq, %iota3A_2, %eq3A : vector<24x2048xi32>
      %jit3A = arith.constant 0.000000e+00 : f32
      %broadcast_in_dim3A_37 = vector.broadcast %jit3A : f32 to vector<24x2048xf32>
      %select_n3A = arith.select %eq3A_36, %get3A_1, %broadcast_in_dim3A_37 : vector<24x2048xi1>, vector<24x2048xf32>
      %reduce_sum3A = arith.constant dense<0.000000e+00> : vector<24xf32>
      %reduce_sum3A_38 = vector.multi_reduction <add>, %select_n3A, %reduce_sum3A [1] : vector<24x2048xf32> to vector<24xf32>
      %broadcast_in_dim3A_39 = vector.shape_cast %reduce_sum3A_38 : vector<24xf32> to vector<24x1xf32>
      %eq3A_40 = vector.broadcast %scan3A_29 : i32 to vector<8x512xi32>
      %eq3A_41 = arith.cmpi eq, %iota3A_3, %eq3A_40 : vector<8x512xi32>
      %broadcast_in_dim3A_42 = vector.shape_cast %scan3A_31 : vector<8x1xi32> to vector<8x1xi32>
      %broadcast_in_dim3A_43 = vector.broadcast %broadcast_in_dim3A_42 : vector<8x1xi32> to vector<8x512xi32>
      %select_n3A_44 = arith.select %eq3A_41, %broadcast_in_dim3A_43, %scan3A_32 : vector<8x512xi1>, vector<8x512xi32>
      %slice3A_45 = vector.extract_strided_slice %broadcast_in_dim3A_39 {offsets = [0, 0], sizes = [8, 1], strides = [1, 1]} : vector<24x1xf32> to vector<8x1xf32>
      %broadcast_in_dim3A_46 = vector.shape_cast %slice3A_45 : vector<8x1xf32> to vector<8x1xf32>
      %broadcast_in_dim3A_47 = vector.broadcast %broadcast_in_dim3A_46 : vector<8x1xf32> to vector<8x512xf32>
      %select_n3A_48 = arith.select %eq3A_41, %broadcast_in_dim3A_47, %scan3A_33 : vector<8x512xi1>, vector<8x512xf32>
      %slice3A_49 = vector.extract_strided_slice %broadcast_in_dim3A_39 {offsets = [8, 0], sizes = [8, 1], strides = [1, 1]} : vector<24x1xf32> to vector<8x1xf32>
      %broadcast_in_dim3A_50 = vector.shape_cast %slice3A_49 : vector<8x1xf32> to vector<8x1xf32>
      %broadcast_in_dim3A_51 = vector.broadcast %broadcast_in_dim3A_50 : vector<8x1xf32> to vector<8x512xf32>
      %select_n3A_52 = arith.select %eq3A_41, %broadcast_in_dim3A_51, %scan3A_34 : vector<8x512xi1>, vector<8x512xf32>
      %slice3A_53 = vector.extract_strided_slice %broadcast_in_dim3A_39 {offsets = [16, 0], sizes = [8, 1], strides = [1, 1]} : vector<24x1xf32> to vector<8x1xf32>
      %broadcast_in_dim3A_54 = vector.shape_cast %slice3A_53 : vector<8x1xf32> to vector<8x1xf32>
      %broadcast_in_dim3A_55 = vector.broadcast %broadcast_in_dim3A_54 : vector<8x1xf32> to vector<8x512xf32>
      %select_n3A_56 = arith.select %eq3A_41, %broadcast_in_dim3A_55, %scan3A_35 : vector<8x512xi1>, vector<8x512xf32>
      %sub3A = vector.broadcast %broadcast_in_dim3A_39 : vector<24x1xf32> to vector<24x2048xf32>
      %sub3A_57 = arith.subf %get3A_1, %sub3A : vector<24x2048xf32>
      %mul3A_58 = arith.mulf %sub3A_57, %sub3A_57 : vector<24x2048xf32>
      %slice3A_59 = vector.extract_strided_slice %mul3A_58 {offsets = [0, 0], sizes = [8, 2048], strides = [1, 1]} : vector<24x2048xf32> to vector<8x2048xf32>
      %slice3A_60 = vector.extract_strided_slice %mul3A_58 {offsets = [8, 0], sizes = [8, 2048], strides = [1, 1]} : vector<24x2048xf32> to vector<8x2048xf32>
      %add3A_61 = arith.addf %slice3A_59, %slice3A_60 : vector<8x2048xf32>
      %slice3A_62 = vector.extract_strided_slice %mul3A_58 {offsets = [16, 0], sizes = [8, 2048], strides = [1, 1]} : vector<24x2048xf32> to vector<8x2048xf32>
      %add3A_63 = arith.addf %add3A_61, %slice3A_62 : vector<8x2048xf32>
      %min3A = arith.minimumf %scan3A_30, %add3A_63 : vector<8x2048xf32>
      %reduce_max3A = arith.constant dense<0xFF800000> : vector<8xf32>
      %reduce_max3A_64 = vector.multi_reduction <maximumf>, %min3A, %reduce_max3A [1] : vector<8x2048xf32> to vector<8xf32>
      %broadcast_in_dim3A_65 = vector.shape_cast %reduce_max3A_64 : vector<8xf32> to vector<8x1xf32>
      %eq3A_66 = vector.broadcast %broadcast_in_dim3A_65 : vector<8x1xf32> to vector<8x2048xf32>
      %eq3A_67 = arith.cmpf oeq, %min3A, %eq3A_66 : vector<8x2048xf32>
      %jit3A_68 = arith.constant 2048 : i32
      %broadcast_in_dim3A_69 = vector.broadcast %jit3A_68 : i32 to vector<8x2048xi32>
      %select_n3A_70 = arith.select %eq3A_67, %iota3A, %broadcast_in_dim3A_69 : vector<8x2048xi1>, vector<8x2048xi32>
      %reduce_min3A_71 = arith.constant dense<2147483647> : vector<8xi32>
      %reduce_min3A_72 = vector.multi_reduction <minsi>, %select_n3A_70, %reduce_min3A_71 [1] : vector<8x2048xi32> to vector<8xi32>
      %broadcast_in_dim3A_73 = vector.shape_cast %reduce_min3A_72 : vector<8xi32> to vector<8x1xi32>
      scf.yield %min3A, %broadcast_in_dim3A_73, %select_n3A_44, %select_n3A_48, %select_n3A_52, %select_n3A_56 : vector<8x2048xf32>, vector<8x1xi32>, vector<8x512xi32>, vector<8x512xf32>, vector<8x512xf32>, vector<8x512xf32>
    }
    %scan3A_17 = arith.constant 512 : i32
    %swap3A = arith.constant 0 : index
    %swap3A_18 = arith.constant 0 : index
    %swap3A_19 = vector.load %arg1[%swap3A, %swap3A_18] : memref<8x512xi32, #tpu.memory_space<vmem>>, vector<8x512xi32>
    tpu.vector_store %arg1[%swap3A, %swap3A_18], %scan3A_16#2 {strides = array<i32>} : memref<8x512xi32, #tpu.memory_space<vmem>>, vector<8x512xi32>,
    %swap3A_20 = arith.constant 0 : index
    %swap3A_21 = arith.constant 0 : index
    %swap3A_22 = vector.load %arg2[%swap3A_20, %swap3A_21] : memref<8x512xf32, #tpu.memory_space<vmem>>, vector<8x512xf32>
    tpu.vector_store %arg2[%swap3A_20, %swap3A_21], %scan3A_16#3 {strides = array<i32>} : memref<8x512xf32, #tpu.memory_space<vmem>>, vector<8x512xf32>,
    %swap3A_23 = arith.constant 0 : index
    %swap3A_24 = arith.constant 0 : index
    %swap3A_25 = vector.load %arg3[%swap3A_23, %swap3A_24] : memref<8x512xf32, #tpu.memory_space<vmem>>, vector<8x512xf32>
    tpu.vector_store %arg3[%swap3A_23, %swap3A_24], %scan3A_16#4 {strides = array<i32>} : memref<8x512xf32, #tpu.memory_space<vmem>>, vector<8x512xf32>,
    %swap3A_26 = arith.constant 0 : index
    %swap3A_27 = arith.constant 0 : index
    %swap3A_28 = vector.load %arg4[%swap3A_26, %swap3A_27] : memref<8x512xf32, #tpu.memory_space<vmem>>, vector<8x512xf32>
    tpu.vector_store %arg4[%swap3A_26, %swap3A_27], %scan3A_16#5 {strides = array<i32>} : memref<8x512xf32, #tpu.memory_space<vmem>>, vector<8x512xf32>,
    return
  }
}

module attributes {stable_mosaic.version = 14 : i64} {
  func.func @_sel_body(%arg0: i32, %arg1: memref<1x512x3xf32, #tpu.memory_space<vmem>>, %arg2: memref<1x3x2048xf32, #tpu.memory_space<vmem>>, %arg3: memref<1x512x32xi32, #tpu.memory_space<vmem>>) attributes {dimension_semantics = [#tpu.dimension_semantics<arbitrary>], iteration_bounds = array<i64: 8>, scalar_prefetch = 0 : i64, scratch_operands = 0 : i64, tpu.core_type = #tpu.core_type<tc>, window_params = [{transform_indices = @transform_0, window_bounds = array<i64: 1, 512, 3>}, {transform_indices = @transform_1, window_bounds = array<i64: 1, 3, 2048>}, {transform_indices = @transform_2, window_bounds = array<i64: 1, 512, 32>}]} {
    %get3A = arith.constant 0 : index
    %get3A_0 = arith.constant 0 : index
    %get3A_1 = arith.constant 0 : index
    %get3A_2 = vector.load %arg1[%get3A, %get3A_0, %get3A_1] : memref<1x512x3xf32, #tpu.memory_space<vmem>>, vector<1x512x3xf32>
    %get3A_3 = vector.shape_cast %get3A_2 : vector<1x512x3xf32> to vector<512x3xf32>
    %get3A_4 = arith.constant 0 : index
    %get3A_5 = arith.constant 0 : index
    %get3A_6 = arith.constant 0 : index
    %get3A_7 = vector.load %arg2[%get3A_4, %get3A_5, %get3A_6] : memref<1x3x2048xf32, #tpu.memory_space<vmem>>, vector<1x3x2048xf32>
    %get3A_8 = vector.shape_cast %get3A_7 : vector<1x3x2048xf32> to vector<3x2048xf32>
    %dot_general3A = arith.constant dense<0.000000e+00> : vector<512x2048xf32>
    %dot_general3A_9 = tpu.matmul %get3A_3, %get3A_8, %dot_general3A {dimension_numbers = #tpu.dot_dimension_numbers<[1], [0], [0], [1], [0, 0, 1, 1], [], []>, transpose_lhs_hint = false} : vector<512x3xf32>, vector<3x2048xf32>, vector<512x2048xf32> -> vector<512x2048xf32>
    %mul3A = arith.constant -2.000000e+00 : f32
    %mul3A_10 = vector.broadcast %mul3A : f32 to vector<512x2048xf32>
    %mul3A_11 = arith.mulf %mul3A_10, %dot_general3A_9 : vector<512x2048xf32>
    %mul3A_12 = arith.mulf %get3A_3, %get3A_3 : vector<512x3xf32>
    %reduce_sum3A = arith.constant dense<0.000000e+00> : vector<512xf32>
    %reduce_sum3A_13 = vector.multi_reduction <add>, %mul3A_12, %reduce_sum3A [1] : vector<512x3xf32> to vector<512xf32>
    %broadcast_in_dim3A = vector.shape_cast %reduce_sum3A_13 : vector<512xf32> to vector<512x1xf32>
    %add3A = vector.broadcast %broadcast_in_dim3A : vector<512x1xf32> to vector<512x2048xf32>
    %add3A_14 = arith.addf %mul3A_11, %add3A : vector<512x2048xf32>
    %mul3A_15 = arith.mulf %get3A_8, %get3A_8 : vector<3x2048xf32>
    %reduce_sum3A_16 = arith.constant dense<0.000000e+00> : vector<2048xf32>
    %reduce_sum3A_17 = vector.multi_reduction <add>, %mul3A_15, %reduce_sum3A_16 [0] : vector<3x2048xf32> to vector<2048xf32>
    %broadcast_in_dim3A_18 = vector.shape_cast %reduce_sum3A_17 : vector<2048xf32> to vector<1x2048xf32>
    %add3A_19 = vector.broadcast %broadcast_in_dim3A_18 : vector<1x2048xf32> to vector<512x2048xf32>
    %add3A_20 = arith.addf %add3A_14, %add3A_19 : vector<512x2048xf32>
    %le3A = arith.constant 4.000000e-02 : f32
    %le3A_21 = vector.broadcast %le3A : f32 to vector<512x2048xf32>
    %le3A_22 = arith.cmpf ole, %add3A_20, %le3A_21 : vector<512x2048xf32>
    %jit3A = arith.constant 1.000000e+00 : f32
    %jit3A_23 = arith.constant 0.000000e+00 : f32
    %broadcast_in_dim3A_24 = vector.broadcast %jit3A : f32 to vector<512x2048xf32>
    %broadcast_in_dim3A_25 = vector.broadcast %jit3A_23 : f32 to vector<512x2048xf32>
    %select_n3A = arith.select %le3A_22, %broadcast_in_dim3A_24, %broadcast_in_dim3A_25 : vector<512x2048xi1>, vector<512x2048xf32>
    %iota3A = tpu.iota {dimensions = array<i32: 1>} : vector<512x2048xi32>
    %and3A = arith.constant 15 : i32
    %and3A_26 = vector.broadcast %and3A : i32 to vector<512x2048xi32>
    %and3A_27 = arith.andi %iota3A, %and3A_26 : vector<512x2048xi32>
    %broadcast_in_dim3A_28 = arith.constant 0.000000e+00 : f32
    %broadcast_in_dim3A_29 = vector.broadcast %broadcast_in_dim3A_28 : f32 to vector<512x1xf32>
    %slice3A = vector.extract_strided_slice %select_n3A {offsets = [0, 0], sizes = [512, 2047], strides = [1, 1]} : vector<512x2048xf32> to vector<512x2047xf32>
    %concatenate3A = tpu.concatenate %broadcast_in_dim3A_29, %slice3A in 1 : vector<512x1xf32>, vector<512x2047xf32> -> vector<512x2048xf32>
    %ge3A = arith.constant 1 : i32
    %ge3A_30 = vector.broadcast %ge3A : i32 to vector<512x2048xi32>
    %ge3A_31 = arith.cmpi sge, %and3A_27, %ge3A_30 : vector<512x2048xi32>
    %jit3A_32 = arith.constant 0.000000e+00 : f32
    %broadcast_in_dim3A_33 = vector.broadcast %jit3A_32 : f32 to vector<512x2048xf32>
    %select_n3A_34 = arith.select %ge3A_31, %concatenate3A, %broadcast_in_dim3A_33 : vector<512x2048xi1>, vector<512x2048xf32>
    %add3A_35 = arith.addf %select_n3A, %select_n3A_34 : vector<512x2048xf32>
    %broadcast_in_dim3A_36 = arith.constant 0.000000e+00 : f32
    %broadcast_in_dim3A_37 = vector.broadcast %broadcast_in_dim3A_36 : f32 to vector<512x2xf32>
    %slice3A_38 = vector.extract_strided_slice %add3A_35 {offsets = [0, 0], sizes = [512, 2046], strides = [1, 1]} : vector<512x2048xf32> to vector<512x2046xf32>
    %concatenate3A_39 = tpu.concatenate %broadcast_in_dim3A_37, %slice3A_38 in 1 : vector<512x2xf32>, vector<512x2046xf32> -> vector<512x2048xf32>
    %ge3A_40 = arith.constant 2 : i32
    %ge3A_41 = vector.broadcast %ge3A_40 : i32 to vector<512x2048xi32>
    %ge3A_42 = arith.cmpi sge, %and3A_27, %ge3A_41 : vector<512x2048xi32>
    %jit3A_43 = arith.constant 0.000000e+00 : f32
    %broadcast_in_dim3A_44 = vector.broadcast %jit3A_43 : f32 to vector<512x2048xf32>
    %select_n3A_45 = arith.select %ge3A_42, %concatenate3A_39, %broadcast_in_dim3A_44 : vector<512x2048xi1>, vector<512x2048xf32>
    %add3A_46 = arith.addf %add3A_35, %select_n3A_45 : vector<512x2048xf32>
    %broadcast_in_dim3A_47 = arith.constant 0.000000e+00 : f32
    %broadcast_in_dim3A_48 = vector.broadcast %broadcast_in_dim3A_47 : f32 to vector<512x4xf32>
    %slice3A_49 = vector.extract_strided_slice %add3A_46 {offsets = [0, 0], sizes = [512, 2044], strides = [1, 1]} : vector<512x2048xf32> to vector<512x2044xf32>
    %concatenate3A_50 = tpu.concatenate %broadcast_in_dim3A_48, %slice3A_49 in 1 : vector<512x4xf32>, vector<512x2044xf32> -> vector<512x2048xf32>
    %ge3A_51 = arith.constant 4 : i32
    %ge3A_52 = vector.broadcast %ge3A_51 : i32 to vector<512x2048xi32>
    %ge3A_53 = arith.cmpi sge, %and3A_27, %ge3A_52 : vector<512x2048xi32>
    %jit3A_54 = arith.constant 0.000000e+00 : f32
    %broadcast_in_dim3A_55 = vector.broadcast %jit3A_54 : f32 to vector<512x2048xf32>
    %select_n3A_56 = arith.select %ge3A_53, %concatenate3A_50, %broadcast_in_dim3A_55 : vector<512x2048xi1>, vector<512x2048xf32>
    %add3A_57 = arith.addf %add3A_46, %select_n3A_56 : vector<512x2048xf32>
    %broadcast_in_dim3A_58 = arith.constant 0.000000e+00 : f32
    %broadcast_in_dim3A_59 = vector.broadcast %broadcast_in_dim3A_58 : f32 to vector<512x8xf32>
    %slice3A_60 = vector.extract_strided_slice %add3A_57 {offsets = [0, 0], sizes = [512, 2040], strides = [1, 1]} : vector<512x2048xf32> to vector<512x2040xf32>
    %concatenate3A_61 = tpu.concatenate %broadcast_in_dim3A_59, %slice3A_60 in 1 : vector<512x8xf32>, vector<512x2040xf32> -> vector<512x2048xf32>
    %ge3A_62 = arith.constant 8 : i32
    %ge3A_63 = vector.broadcast %ge3A_62 : i32 to vector<512x2048xi32>
    %ge3A_64 = arith.cmpi sge, %and3A_27, %ge3A_63 : vector<512x2048xi32>
    %jit3A_65 = arith.constant 0.000000e+00 : f32
    %broadcast_in_dim3A_66 = vector.broadcast %jit3A_65 : f32 to vector<512x2048xf32>
    %select_n3A_67 = arith.select %ge3A_64, %concatenate3A_61, %broadcast_in_dim3A_66 : vector<512x2048xi1>, vector<512x2048xf32>
    %add3A_68 = arith.addf %add3A_57, %select_n3A_67 : vector<512x2048xf32>
    %iota3A_69 = tpu.iota {dimensions = array<i32: 0>} : vector<2048x128xi32>
    %jit3A_70 = arith.constant 16 : i32
    %div3A = vector.broadcast %jit3A_70 : i32 to vector<2048x128xi32>
    %div3A_71 = arith.divsi %iota3A_69, %div3A : vector<2048x128xi32>
    %sign3A = arith.constant 0 : i32
    %sign3A_72 = vector.broadcast %sign3A : i32 to vector<2048x128xi32>
    %sign3A_73 = arith.cmpi sgt, %iota3A_69, %sign3A_72 : vector<2048x128xi32>
    %sign3A_74 = arith.extui %sign3A_73 : vector<2048x128xi1> to vector<2048x128xi32>
    %sign3A_75 = arith.constant 0 : i32
    %sign3A_76 = vector.broadcast %sign3A_75 : i32 to vector<2048x128xi32>
    %sign3A_77 = arith.cmpi slt, %iota3A_69, %sign3A_76 : vector<2048x128xi32>
    %sign3A_78 = arith.extui %sign3A_77 : vector<2048x128xi1> to vector<2048x128xi32>
    %sign3A_79 = arith.subi %sign3A_74, %sign3A_78 : vector<2048x128xi32>
    %sign3A_80 = arith.constant 0 : i32
    %sign3A_81 = arith.cmpi sgt, %jit3A_70, %sign3A_80 : i32
    %sign3A_82 = arith.extui %sign3A_81 : i1 to i32
    %sign3A_83 = arith.constant 0 : i32
    %sign3A_84 = arith.cmpi slt, %jit3A_70, %sign3A_83 : i32
    %sign3A_85 = arith.extui %sign3A_84 : i1 to i32
    %sign3A_86 = arith.subi %sign3A_82, %sign3A_85 : i32
    %ne3A = vector.broadcast %sign3A_86 : i32 to vector<2048x128xi32>
    %ne3A_87 = arith.cmpi ne, %sign3A_79, %ne3A : vector<2048x128xi32>
    %rem3A = vector.broadcast %jit3A_70 : i32 to vector<2048x128xi32>
    %rem3A_88 = arith.remsi %iota3A_69, %rem3A : vector<2048x128xi32>
    %ne3A_89 = arith.constant 0 : i32
    %ne3A_90 = vector.broadcast %ne3A_89 : i32 to vector<2048x128xi32>
    %ne3A_91 = arith.cmpi ne, %rem3A_88, %ne3A_90 : vector<2048x128xi32>
    %and3A_92 = arith.andi %ne3A_87, %ne3A_91 : vector<2048x128xi1>
    %sub3A = arith.constant 1 : i32
    %sub3A_93 = vector.broadcast %sub3A : i32 to vector<2048x128xi32>
    %sub3A_94 = arith.subi %div3A_71, %sub3A_93 : vector<2048x128xi32>
    %select_n3A_95 = arith.select %and3A_92, %sub3A_94, %div3A_71 : vector<2048x128xi1>, vector<2048x128xi32>
    %iota3A_96 = tpu.iota {dimensions = array<i32: 1>} : vector<2048x128xi32>
    %eq3A = arith.cmpi eq, %select_n3A_95, %iota3A_96 : vector<2048x128xi32>
    %convert_element_type3A = arith.extui %eq3A : vector<2048x128xi1> to vector<2048x128xi32>
    %convert_element_type3A_97 = arith.sitofp %convert_element_type3A : vector<2048x128xi32> to vector<2048x128xf32>
    %dot_general3A_98 = arith.constant dense<0.000000e+00> : vector<512x128xf32>
    %dot_general3A_99 = tpu.matmul %select_n3A, %convert_element_type3A_97, %dot_general3A_98 {dimension_numbers = #tpu.dot_dimension_numbers<[1], [0], [0], [1], [0, 0, 1, 1], [], []>, transpose_lhs_hint = false} : vector<512x2048xf32>, vector<2048x128xf32>, vector<512x128xf32> -> vector<512x128xf32>
    %iota3A_100 = tpu.iota {dimensions = array<i32: 0>} : vector<128x128xi32>
    %iota3A_101 = tpu.iota {dimensions = array<i32: 1>} : vector<128x128xi32>
    %lt3A = arith.cmpi slt, %iota3A_100, %iota3A_101 : vector<128x128xi32>
    %convert_element_type3A_102 = arith.extui %lt3A : vector<128x128xi1> to vector<128x128xi32>
    %convert_element_type3A_103 = arith.sitofp %convert_element_type3A_102 : vector<128x128xi32> to vector<128x128xf32>
    %dot_general3A_104 = arith.constant dense<0.000000e+00> : vector<512x128xf32>
    %dot_general3A_105 = tpu.matmul %dot_general3A_99, %convert_element_type3A_103, %dot_general3A_104 {dimension_numbers = #tpu.dot_dimension_numbers<[1], [0], [0], [1], [0, 0, 1, 1], [], []>, transpose_lhs_hint = false} : vector<512x128xf32>, vector<128x128xf32>, vector<512x128xf32> -> vector<512x128xf32>
    %mul3A_106 = arith.constant 3.906250e-03 : f32
    %mul3A_107 = vector.broadcast %mul3A_106 : f32 to vector<512x128xf32>
    %mul3A_108 = arith.mulf %dot_general3A_105, %mul3A_107 : vector<512x128xf32>
    %floor3A = math.floor %mul3A_108 : vector<512x128xf32>
    %mul3A_109 = arith.constant 2.560000e+02 : f32
    %mul3A_110 = vector.broadcast %mul3A_109 : f32 to vector<512x128xf32>
    %mul3A_111 = arith.mulf %floor3A, %mul3A_110 : vector<512x128xf32>
    %sub3A_112 = arith.subf %dot_general3A_105, %mul3A_111 : vector<512x128xf32>
    %iota3A_113 = tpu.iota {dimensions = array<i32: 0>} : vector<128x2048xi32>
    %iota3A_114 = tpu.iota {dimensions = array<i32: 1>} : vector<128x2048xi32>
    %jit3A_115 = arith.constant 16 : i32
    %div3A_116 = vector.broadcast %jit3A_115 : i32 to vector<128x2048xi32>
    %div3A_117 = arith.divsi %iota3A_114, %div3A_116 : vector<128x2048xi32>
    %sign3A_118 = arith.constant 0 : i32
    %sign3A_119 = vector.broadcast %sign3A_118 : i32 to vector<128x2048xi32>
    %sign3A_120 = arith.cmpi sgt, %iota3A_114, %sign3A_119 : vector<128x2048xi32>
    %sign3A_121 = arith.extui %sign3A_120 : vector<128x2048xi1> to vector<128x2048xi32>
    %sign3A_122 = arith.constant 0 : i32
    %sign3A_123 = vector.broadcast %sign3A_122 : i32 to vector<128x2048xi32>
    %sign3A_124 = arith.cmpi slt, %iota3A_114, %sign3A_123 : vector<128x2048xi32>
    %sign3A_125 = arith.extui %sign3A_124 : vector<128x2048xi1> to vector<128x2048xi32>
    %sign3A_126 = arith.subi %sign3A_121, %sign3A_125 : vector<128x2048xi32>
    %sign3A_127 = arith.constant 0 : i32
    %sign3A_128 = arith.cmpi sgt, %jit3A_115, %sign3A_127 : i32
    %sign3A_129 = arith.extui %sign3A_128 : i1 to i32
    %sign3A_130 = arith.constant 0 : i32
    %sign3A_131 = arith.cmpi slt, %jit3A_115, %sign3A_130 : i32
    %sign3A_132 = arith.extui %sign3A_131 : i1 to i32
    %sign3A_133 = arith.subi %sign3A_129, %sign3A_132 : i32
    %ne3A_134 = vector.broadcast %sign3A_133 : i32 to vector<128x2048xi32>
    %ne3A_135 = arith.cmpi ne, %sign3A_126, %ne3A_134 : vector<128x2048xi32>
    %rem3A_136 = vector.broadcast %jit3A_115 : i32 to vector<128x2048xi32>
    %rem3A_137 = arith.remsi %iota3A_114, %rem3A_136 : vector<128x2048xi32>
    %ne3A_138 = arith.constant 0 : i32
    %ne3A_139 = vector.broadcast %ne3A_138 : i32 to vector<128x2048xi32>
    %ne3A_140 = arith.cmpi ne, %rem3A_137, %ne3A_139 : vector<128x2048xi32>
    %and3A_141 = arith.andi %ne3A_135, %ne3A_140 : vector<128x2048xi1>
    %sub3A_142 = arith.constant 1 : i32
    %sub3A_143 = vector.broadcast %sub3A_142 : i32 to vector<128x2048xi32>
    %sub3A_144 = arith.subi %div3A_117, %sub3A_143 : vector<128x2048xi32>
    %select_n3A_145 = arith.select %and3A_141, %sub3A_144, %div3A_117 : vector<128x2048xi1>, vector<128x2048xi32>
    %eq3A_146 = arith.cmpi eq, %iota3A_113, %select_n3A_145 : vector<128x2048xi32>
    %convert_element_type3A_147 = arith.extui %eq3A_146 : vector<128x2048xi1> to vector<128x2048xi32>
    %convert_element_type3A_148 = arith.sitofp %convert_element_type3A_147 : vector<128x2048xi32> to vector<128x2048xf32>
    %dot_general3A_149 = arith.constant dense<0.000000e+00> : vector<512x2048xf32>
    %dot_general3A_150 = tpu.matmul %floor3A, %convert_element_type3A_148, %dot_general3A_149 {dimension_numbers = #tpu.dot_dimension_numbers<[1], [0], [0], [1], [0, 0, 1, 1], [], []>, transpose_lhs_hint = false} : vector<512x128xf32>, vector<128x2048xf32>, vector<512x2048xf32> -> vector<512x2048xf32>
    %mul3A_151 = arith.constant 2.560000e+02 : f32
    %mul3A_152 = vector.broadcast %mul3A_151 : f32 to vector<512x2048xf32>
    %mul3A_153 = arith.mulf %dot_general3A_150, %mul3A_152 : vector<512x2048xf32>
    %dot_general3A_154 = arith.constant dense<0.000000e+00> : vector<512x2048xf32>
    %dot_general3A_155 = tpu.matmul %sub3A_112, %convert_element_type3A_148, %dot_general3A_154 {dimension_numbers = #tpu.dot_dimension_numbers<[1], [0], [0], [1], [0, 0, 1, 1], [], []>, transpose_lhs_hint = false} : vector<512x128xf32>, vector<128x2048xf32>, vector<512x2048xf32> -> vector<512x2048xf32>
    %add3A_156 = arith.addf %mul3A_153, %dot_general3A_155 : vector<512x2048xf32>
    %add3A_157 = arith.addf %add3A_68, %add3A_156 : vector<512x2048xf32>
    %iota3A_158 = tpu.iota {dimensions = array<i32: 1>} : vector<512x32xi32>
    %slice3A_159 = vector.extract_strided_slice %select_n3A {offsets = [0, 0], sizes = [512, 32], strides = [1, 1]} : vector<512x2048xf32> to vector<512x32xf32>
    %mul3A_160 = arith.constant 0.000000e+00 : f32
    %mul3A_161 = vector.broadcast %mul3A_160 : f32 to vector<512x32xf32>
    %mul3A_162 = arith.mulf %slice3A_159, %mul3A_161 : vector<512x32xf32>
    %scan3A = arith.constant 0 : i32
    %scan3A_163 = arith.constant 32 : i32
    %scan3A_164 = arith.addi %scan3A, %scan3A_163 : i32
    %scan3A_165 = arith.constant 1 : i32
    %scan3A_166 = scf.for %scan3A_196 = %scan3A to %scan3A_164 step %scan3A_165 iter_args(%scan3A_197 = %mul3A_162) -> (vector<512x32xf32>)  : i32 {
      %convert_element_type3A_198 = arith.sitofp %scan3A_196 : i32 to f32
      %mul3A_199 = arith.constant 1.000000e+00 : f32
      %mul3A_200 = arith.mulf %mul3A_199, %convert_element_type3A_198 : f32
      %le3A_201 = vector.broadcast %mul3A_200 : f32 to vector<512x2048xf32>
      %le3A_202 = arith.cmpf ole, %add3A_157, %le3A_201 : vector<512x2048xf32>
      %jit3A_203 = arith.constant 1.000000e+00 : f32
      %jit3A_204 = arith.constant 0.000000e+00 : f32
      %broadcast_in_dim3A_205 = vector.broadcast %jit3A_203 : f32 to vector<512x2048xf32>
      %broadcast_in_dim3A_206 = vector.broadcast %jit3A_204 : f32 to vector<512x2048xf32>
      %select_n3A_207 = arith.select %le3A_202, %broadcast_in_dim3A_205, %broadcast_in_dim3A_206 : vector<512x2048xi1>, vector<512x2048xf32>
      %reduce_sum3A_208 = arith.constant dense<0.000000e+00> : vector<512xf32>
      %reduce_sum3A_209 = vector.multi_reduction <add>, %select_n3A_207, %reduce_sum3A_208 [1] : vector<512x2048xf32> to vector<512xf32>
      %broadcast_in_dim3A_210 = vector.shape_cast %reduce_sum3A_209 : vector<512xf32> to vector<512x1xf32>
      %eq3A_211 = vector.broadcast %scan3A_196 : i32 to vector<512x32xi32>
      %eq3A_212 = arith.cmpi eq, %iota3A_158, %eq3A_211 : vector<512x32xi32>
      %broadcast_in_dim3A_213 = vector.shape_cast %broadcast_in_dim3A_210 : vector<512x1xf32> to vector<512x1xf32>
      %broadcast_in_dim3A_214 = vector.broadcast %broadcast_in_dim3A_213 : vector<512x1xf32> to vector<512x32xf32>
      %select_n3A_215 = arith.select %eq3A_212, %broadcast_in_dim3A_214, %scan3A_197 : vector<512x32xi1>, vector<512x32xf32>
      scf.yield %select_n3A_215 : vector<512x32xf32>
    }
    %scan3A_167 = arith.constant 32 : i32
    %eq3A_168 = arith.constant 0 : i32
    %eq3A_169 = vector.broadcast %eq3A_168 : i32 to vector<512x32xi32>
    %eq3A_170 = arith.cmpi eq, %iota3A_158, %eq3A_169 : vector<512x32xi32>
    %jit3A_171 = arith.constant 0.000000e+00 : f32
    %broadcast_in_dim3A_172 = vector.broadcast %jit3A_171 : f32 to vector<512x32xf32>
    %select_n3A_173 = arith.select %eq3A_170, %scan3A_166, %broadcast_in_dim3A_172 : vector<512x32xi1>, vector<512x32xf32>
    %reduce_sum3A_174 = arith.constant dense<0.000000e+00> : vector<512xf32>
    %reduce_sum3A_175 = vector.multi_reduction <add>, %select_n3A_173, %reduce_sum3A_174 [1] : vector<512x32xf32> to vector<512xf32>
    %broadcast_in_dim3A_176 = vector.shape_cast %reduce_sum3A_175 : vector<512xf32> to vector<512x1xf32>
    %eq3A_177 = arith.constant 2.048000e+03 : f32
    %eq3A_178 = vector.broadcast %eq3A_177 : f32 to vector<512x32xf32>
    %eq3A_179 = arith.cmpf oeq, %scan3A_166, %eq3A_178 : vector<512x32xf32>
    %broadcast_in_dim3A_180 = vector.shape_cast %broadcast_in_dim3A_176 : vector<512x1xf32> to vector<512x1xf32>
    %broadcast_in_dim3A_181 = vector.broadcast %broadcast_in_dim3A_180 : vector<512x1xf32> to vector<512x32xf32>
    %select_n3A_182 = arith.select %eq3A_179, %broadcast_in_dim3A_181, %scan3A_166 : vector<512x32xi1>, vector<512x32xf32>
    %mul3A_183 = arith.constant 2048 : i32
    %mul3A_184 = arith.muli %arg0, %mul3A_183 : i32
    %convert_element_type3A_185 = arith.sitofp %mul3A_184 : i32 to f32
    %mul3A_186 = arith.constant 1.000000e+00 : f32
    %mul3A_187 = arith.mulf %mul3A_186, %convert_element_type3A_185 : f32
    %add3A_188 = vector.broadcast %mul3A_187 : f32 to vector<512x32xf32>
    %add3A_189 = arith.addf %select_n3A_182, %add3A_188 : vector<512x32xf32>
    %convert_element_type3A_190 = arith.fptosi %add3A_189 : vector<512x32xf32> to vector<512x32xi32>
    %swap3A = arith.constant 0 : index
    %swap3A_191 = arith.constant 0 : index
    %swap3A_192 = arith.constant 0 : index
    %swap3A_193 = vector.load %arg3[%swap3A, %swap3A_191, %swap3A_192] : memref<1x512x32xi32, #tpu.memory_space<vmem>>, vector<1x512x32xi32>
    %swap3A_194 = vector.shape_cast %swap3A_193 : vector<1x512x32xi32> to vector<512x32xi32>
    %swap3A_195 = vector.shape_cast %convert_element_type3A_190 : vector<512x32xi32> to vector<1x512x32xi32>
    tpu.vector_store %arg3[%swap3A, %swap3A_191, %swap3A_192], %swap3A_195 {strides = array<i32>} : memref<1x512x32xi32, #tpu.memory_space<vmem>>, vector<1x512x32xi32>,
    return
  }
  func.func @transform_0(%arg0: i32) -> (i32, i32, i32) {
    %c0_i32 = arith.constant 0 : i32
    %c0_i32_0 = arith.constant 0 : i32
    %c0_i32_1 = arith.constant 0 : i32
    return %arg0, %c0_i32, %c0_i32_0 : i32, i32, i32
  }
  func.func @transform_1(%arg0: i32) -> (i32, i32, i32) {
    %c0_i32 = arith.constant 0 : i32
    %c0_i32_0 = arith.constant 0 : i32
    %c0_i32_1 = arith.constant 0 : i32
    return %arg0, %c0_i32, %c0_i32_0 : i32, i32, i32
  }
  func.func @transform_2(%arg0: i32) -> (i32, i32, i32) {
    %c0_i32 = arith.constant 0 : i32
    %c0_i32_0 = arith.constant 0 : i32
    %c0_i32_1 = arith.constant 0 : i32
    return %arg0, %c0_i32, %c0_i32_0 : i32, i32, i32
  }
}

module attributes {stable_mosaic.version = 14 : i64} {
  func.func @_mask_body(%arg0: i32, %arg1: memref<1x512x3xf32, #tpu.memory_space<vmem>>, %arg2: memref<1x3x2048xf32, #tpu.memory_space<vmem>>, %arg3: memref<1x512x1xi32, #tpu.memory_space<vmem>>, %arg4: memref<1x1x2048xf32, #tpu.memory_space<vmem>>, %arg5: memref<1x1x2048xf32, #tpu.memory_space<vmem>>, %arg6: memref<1x2048x128xf32, #tpu.memory_space<vmem>>, %arg7: memref<1x1x512xi32, #tpu.memory_space<vmem>>, %arg8: memref<128x128xf32, #tpu.memory_space<vmem>>, %arg9: memref<128x3xf32, #tpu.memory_space<vmem>>, %arg10: memref<3x3xf32, #tpu.memory_space<vmem>>, %arg11: memref<1x128xf32, #tpu.memory_space<vmem>>, %arg12: memref<1x3xf32, #tpu.memory_space<vmem>>, %arg13: memref<128x128xf32, #tpu.memory_space<vmem>>, %arg14: memref<128x3xf32, #tpu.memory_space<vmem>>, %arg15: memref<3x3xf32, #tpu.memory_space<vmem>>, %arg16: memref<1x128xf32, #tpu.memory_space<vmem>>, %arg17: memref<1x3xf32, #tpu.memory_space<vmem>>) attributes {dimension_semantics = [#tpu.dimension_semantics<arbitrary>], iteration_bounds = array<i64: 8>, scalar_prefetch = 0 : i64, scratch_operands = 5 : i64, tpu.core_type = #tpu.core_type<tc>, window_params = [{transform_indices = @transform_0, window_bounds = array<i64: 1, 512, 3>}, {transform_indices = @transform_1, window_bounds = array<i64: 1, 3, 2048>}, {transform_indices = @transform_2, window_bounds = array<i64: 1, 512, 1>}, {transform_indices = @transform_3, window_bounds = array<i64: 1, 1, 2048>}, {transform_indices = @transform_4, window_bounds = array<i64: 1, 1, 2048>}, {transform_indices = @transform_5, window_bounds = array<i64: 1, 2048, 128>}, {transform_indices = @transform_6, window_bounds = array<i64: 1, 1, 512>}, {pipeline_mode = #tpu.pipeline_mode<synchronous>, transform_indices = @transform_7, window_bounds = array<i64: 128, 128>}, {pipeline_mode = #tpu.pipeline_mode<synchronous>, transform_indices = @transform_8, window_bounds = array<i64: 128, 3>}, {pipeline_mode = #tpu.pipeline_mode<synchronous>, transform_indices = @transform_9, window_bounds = array<i64: 3, 3>}, {pipeline_mode = #tpu.pipeline_mode<synchronous>, transform_indices = @transform_10, window_bounds = array<i64: 1, 128>}, {pipeline_mode = #tpu.pipeline_mode<synchronous>, transform_indices = @transform_11, window_bounds = array<i64: 1, 3>}]} {
    %get3A = arith.constant 0 : index
    %get3A_0 = arith.constant 0 : index
    %get3A_1 = arith.constant 0 : index
    %get3A_2 = vector.load %arg1[%get3A, %get3A_0, %get3A_1] : memref<1x512x3xf32, #tpu.memory_space<vmem>>, vector<1x512x3xf32>
    %get3A_3 = vector.shape_cast %get3A_2 : vector<1x512x3xf32> to vector<512x3xf32>
    %get3A_4 = arith.constant 0 : index
    %get3A_5 = arith.constant 0 : index
    %get3A_6 = arith.constant 0 : index
    %get3A_7 = vector.load %arg2[%get3A_4, %get3A_5, %get3A_6] : memref<1x3x2048xf32, #tpu.memory_space<vmem>>, vector<1x3x2048xf32>
    %get3A_8 = vector.shape_cast %get3A_7 : vector<1x3x2048xf32> to vector<3x2048xf32>
    %dot_general3A = arith.constant dense<0.000000e+00> : vector<512x2048xf32>
    %dot_general3A_9 = tpu.matmul %get3A_3, %get3A_8, %dot_general3A {dimension_numbers = #tpu.dot_dimension_numbers<[1], [0], [0], [1], [0, 0, 1, 1], [], []>, transpose_lhs_hint = false} : vector<512x3xf32>, vector<3x2048xf32>, vector<512x2048xf32> -> vector<512x2048xf32>
    %mul3A = arith.constant -2.000000e+00 : f32
    %mul3A_10 = vector.broadcast %mul3A : f32 to vector<512x2048xf32>
    %mul3A_11 = arith.mulf %mul3A_10, %dot_general3A_9 : vector<512x2048xf32>
    %mul3A_12 = arith.mulf %get3A_3, %get3A_3 : vector<512x3xf32>
    %reduce_sum3A = arith.constant dense<0.000000e+00> : vector<512xf32>
    %reduce_sum3A_13 = vector.multi_reduction <add>, %mul3A_12, %reduce_sum3A [1] : vector<512x3xf32> to vector<512xf32>
    %broadcast_in_dim3A = vector.shape_cast %reduce_sum3A_13 : vector<512xf32> to vector<512x1xf32>
    %add3A = vector.broadcast %broadcast_in_dim3A : vector<512x1xf32> to vector<512x2048xf32>
    %add3A_14 = arith.addf %mul3A_11, %add3A : vector<512x2048xf32>
    %mul3A_15 = arith.mulf %get3A_8, %get3A_8 : vector<3x2048xf32>
    %reduce_sum3A_16 = arith.constant dense<0.000000e+00> : vector<2048xf32>
    %reduce_sum3A_17 = vector.multi_reduction <add>, %mul3A_15, %reduce_sum3A_16 [0] : vector<3x2048xf32> to vector<2048xf32>
    %broadcast_in_dim3A_18 = vector.shape_cast %reduce_sum3A_17 : vector<2048xf32> to vector<1x2048xf32>
    %add3A_19 = vector.broadcast %broadcast_in_dim3A_18 : vector<1x2048xf32> to vector<512x2048xf32>
    %add3A_20 = arith.addf %add3A_14, %add3A_19 : vector<512x2048xf32>
    %le3A = arith.constant 4.000000e-02 : f32
    %le3A_21 = vector.broadcast %le3A : f32 to vector<512x2048xf32>
    %le3A_22 = arith.cmpf ole, %add3A_20, %le3A_21 : vector<512x2048xf32>
    %jit3A = arith.constant 1.000000e+00 : f32
    %jit3A_23 = arith.constant 0.000000e+00 : f32
    %broadcast_in_dim3A_24 = vector.broadcast %jit3A : f32 to vector<512x2048xf32>
    %broadcast_in_dim3A_25 = vector.broadcast %jit3A_23 : f32 to vector<512x2048xf32>
    %select_n3A = arith.select %le3A_22, %broadcast_in_dim3A_24, %broadcast_in_dim3A_25 : vector<512x2048xi1>, vector<512x2048xf32>
    %iota3A = tpu.iota {dimensions = array<i32: 1>} : vector<512x2048xi32>
    %and3A = arith.constant 15 : i32
    %and3A_26 = vector.broadcast %and3A : i32 to vector<512x2048xi32>
    %and3A_27 = arith.andi %iota3A, %and3A_26 : vector<512x2048xi32>
    %broadcast_in_dim3A_28 = arith.constant 0.000000e+00 : f32
    %broadcast_in_dim3A_29 = vector.broadcast %broadcast_in_dim3A_28 : f32 to vector<512x1xf32>
    %slice3A = vector.extract_strided_slice %select_n3A {offsets = [0, 0], sizes = [512, 2047], strides = [1, 1]} : vector<512x2048xf32> to vector<512x2047xf32>
    %concatenate3A = tpu.concatenate %broadcast_in_dim3A_29, %slice3A in 1 : vector<512x1xf32>, vector<512x2047xf32> -> vector<512x2048xf32>
    %ge3A = arith.constant 1 : i32
    %ge3A_30 = vector.broadcast %ge3A : i32 to vector<512x2048xi32>
    %ge3A_31 = arith.cmpi sge, %and3A_27, %ge3A_30 : vector<512x2048xi32>
    %jit3A_32 = arith.constant 0.000000e+00 : f32
    %broadcast_in_dim3A_33 = vector.broadcast %jit3A_32 : f32 to vector<512x2048xf32>
    %select_n3A_34 = arith.select %ge3A_31, %concatenate3A, %broadcast_in_dim3A_33 : vector<512x2048xi1>, vector<512x2048xf32>
    %add3A_35 = arith.addf %select_n3A, %select_n3A_34 : vector<512x2048xf32>
    %broadcast_in_dim3A_36 = arith.constant 0.000000e+00 : f32
    %broadcast_in_dim3A_37 = vector.broadcast %broadcast_in_dim3A_36 : f32 to vector<512x2xf32>
    %slice3A_38 = vector.extract_strided_slice %add3A_35 {offsets = [0, 0], sizes = [512, 2046], strides = [1, 1]} : vector<512x2048xf32> to vector<512x2046xf32>
    %concatenate3A_39 = tpu.concatenate %broadcast_in_dim3A_37, %slice3A_38 in 1 : vector<512x2xf32>, vector<512x2046xf32> -> vector<512x2048xf32>
    %ge3A_40 = arith.constant 2 : i32
    %ge3A_41 = vector.broadcast %ge3A_40 : i32 to vector<512x2048xi32>
    %ge3A_42 = arith.cmpi sge, %and3A_27, %ge3A_41 : vector<512x2048xi32>
    %jit3A_43 = arith.constant 0.000000e+00 : f32
    %broadcast_in_dim3A_44 = vector.broadcast %jit3A_43 : f32 to vector<512x2048xf32>
    %select_n3A_45 = arith.select %ge3A_42, %concatenate3A_39, %broadcast_in_dim3A_44 : vector<512x2048xi1>, vector<512x2048xf32>
    %add3A_46 = arith.addf %add3A_35, %select_n3A_45 : vector<512x2048xf32>
    %broadcast_in_dim3A_47 = arith.constant 0.000000e+00 : f32
    %broadcast_in_dim3A_48 = vector.broadcast %broadcast_in_dim3A_47 : f32 to vector<512x4xf32>
    %slice3A_49 = vector.extract_strided_slice %add3A_46 {offsets = [0, 0], sizes = [512, 2044], strides = [1, 1]} : vector<512x2048xf32> to vector<512x2044xf32>
    %concatenate3A_50 = tpu.concatenate %broadcast_in_dim3A_48, %slice3A_49 in 1 : vector<512x4xf32>, vector<512x2044xf32> -> vector<512x2048xf32>
    %ge3A_51 = arith.constant 4 : i32
    %ge3A_52 = vector.broadcast %ge3A_51 : i32 to vector<512x2048xi32>
    %ge3A_53 = arith.cmpi sge, %and3A_27, %ge3A_52 : vector<512x2048xi32>
    %jit3A_54 = arith.constant 0.000000e+00 : f32
    %broadcast_in_dim3A_55 = vector.broadcast %jit3A_54 : f32 to vector<512x2048xf32>
    %select_n3A_56 = arith.select %ge3A_53, %concatenate3A_50, %broadcast_in_dim3A_55 : vector<512x2048xi1>, vector<512x2048xf32>
    %add3A_57 = arith.addf %add3A_46, %select_n3A_56 : vector<512x2048xf32>
    %broadcast_in_dim3A_58 = arith.constant 0.000000e+00 : f32
    %broadcast_in_dim3A_59 = vector.broadcast %broadcast_in_dim3A_58 : f32 to vector<512x8xf32>
    %slice3A_60 = vector.extract_strided_slice %add3A_57 {offsets = [0, 0], sizes = [512, 2040], strides = [1, 1]} : vector<512x2048xf32> to vector<512x2040xf32>
    %concatenate3A_61 = tpu.concatenate %broadcast_in_dim3A_59, %slice3A_60 in 1 : vector<512x8xf32>, vector<512x2040xf32> -> vector<512x2048xf32>
    %ge3A_62 = arith.constant 8 : i32
    %ge3A_63 = vector.broadcast %ge3A_62 : i32 to vector<512x2048xi32>
    %ge3A_64 = arith.cmpi sge, %and3A_27, %ge3A_63 : vector<512x2048xi32>
    %jit3A_65 = arith.constant 0.000000e+00 : f32
    %broadcast_in_dim3A_66 = vector.broadcast %jit3A_65 : f32 to vector<512x2048xf32>
    %select_n3A_67 = arith.select %ge3A_64, %concatenate3A_61, %broadcast_in_dim3A_66 : vector<512x2048xi1>, vector<512x2048xf32>
    %add3A_68 = arith.addf %add3A_57, %select_n3A_67 : vector<512x2048xf32>
    %iota3A_69 = tpu.iota {dimensions = array<i32: 0>} : vector<2048x128xi32>
    %jit3A_70 = arith.constant 16 : i32
    %div3A = vector.broadcast %jit3A_70 : i32 to vector<2048x128xi32>
    %div3A_71 = arith.divsi %iota3A_69, %div3A : vector<2048x128xi32>
    %sign3A = arith.constant 0 : i32
    %sign3A_72 = vector.broadcast %sign3A : i32 to vector<2048x128xi32>
    %sign3A_73 = arith.cmpi sgt, %iota3A_69, %sign3A_72 : vector<2048x128xi32>
    %sign3A_74 = arith.extui %sign3A_73 : vector<2048x128xi1> to vector<2048x128xi32>
    %sign3A_75 = arith.constant 0 : i32
    %sign3A_76 = vector.broadcast %sign3A_75 : i32 to vector<2048x128xi32>
    %sign3A_77 = arith.cmpi slt, %iota3A_69, %sign3A_76 : vector<2048x128xi32>
    %sign3A_78 = arith.extui %sign3A_77 : vector<2048x128xi1> to vector<2048x128xi32>
    %sign3A_79 = arith.subi %sign3A_74, %sign3A_78 : vector<2048x128xi32>
    %sign3A_80 = arith.constant 0 : i32
    %sign3A_81 = arith.cmpi sgt, %jit3A_70, %sign3A_80 : i32
    %sign3A_82 = arith.extui %sign3A_81 : i1 to i32
    %sign3A_83 = arith.constant 0 : i32
    %sign3A_84 = arith.cmpi slt, %jit3A_70, %sign3A_83 : i32
    %sign3A_85 = arith.extui %sign3A_84 : i1 to i32
    %sign3A_86 = arith.subi %sign3A_82, %sign3A_85 : i32
    %ne3A = vector.broadcast %sign3A_86 : i32 to vector<2048x128xi32>
    %ne3A_87 = arith.cmpi ne, %sign3A_79, %ne3A : vector<2048x128xi32>
    %rem3A = vector.broadcast %jit3A_70 : i32 to vector<2048x128xi32>
    %rem3A_88 = arith.remsi %iota3A_69, %rem3A : vector<2048x128xi32>
    %ne3A_89 = arith.constant 0 : i32
    %ne3A_90 = vector.broadcast %ne3A_89 : i32 to vector<2048x128xi32>
    %ne3A_91 = arith.cmpi ne, %rem3A_88, %ne3A_90 : vector<2048x128xi32>
    %and3A_92 = arith.andi %ne3A_87, %ne3A_91 : vector<2048x128xi1>
    %sub3A = arith.constant 1 : i32
    %sub3A_93 = vector.broadcast %sub3A : i32 to vector<2048x128xi32>
    %sub3A_94 = arith.subi %div3A_71, %sub3A_93 : vector<2048x128xi32>
    %select_n3A_95 = arith.select %and3A_92, %sub3A_94, %div3A_71 : vector<2048x128xi1>, vector<2048x128xi32>
    %iota3A_96 = tpu.iota {dimensions = array<i32: 1>} : vector<2048x128xi32>
    %eq3A = arith.cmpi eq, %select_n3A_95, %iota3A_96 : vector<2048x128xi32>
    %convert_element_type3A = arith.extui %eq3A : vector<2048x128xi1> to vector<2048x128xi32>
    %convert_element_type3A_97 = arith.sitofp %convert_element_type3A : vector<2048x128xi32> to vector<2048x128xf32>
    %dot_general3A_98 = arith.constant dense<0.000000e+00> : vector<512x128xf32>
    %dot_general3A_99 = tpu.matmul %select_n3A, %convert_element_type3A_97, %dot_general3A_98 {dimension_numbers = #tpu.dot_dimension_numbers<[1], [0], [0], [1], [0, 0, 1, 1], [], []>, transpose_lhs_hint = false} : vector<512x2048xf32>, vector<2048x128xf32>, vector<512x128xf32> -> vector<512x128xf32>
    %iota3A_100 = tpu.iota {dimensions = array<i32: 0>} : vector<128x128xi32>
    %iota3A_101 = tpu.iota {dimensions = array<i32: 1>} : vector<128x128xi32>
    %lt3A = arith.cmpi slt, %iota3A_100, %iota3A_101 : vector<128x128xi32>
    %convert_element_type3A_102 = arith.extui %lt3A : vector<128x128xi1> to vector<128x128xi32>
    %convert_element_type3A_103 = arith.sitofp %convert_element_type3A_102 : vector<128x128xi32> to vector<128x128xf32>
    %dot_general3A_104 = arith.constant dense<0.000000e+00> : vector<512x128xf32>
    %dot_general3A_105 = tpu.matmul %dot_general3A_99, %convert_element_type3A_103, %dot_general3A_104 {dimension_numbers = #tpu.dot_dimension_numbers<[1], [0], [0], [1], [0, 0, 1, 1], [], []>, transpose_lhs_hint = false} : vector<512x128xf32>, vector<128x128xf32>, vector<512x128xf32> -> vector<512x128xf32>
    %mul3A_106 = arith.constant 3.906250e-03 : f32
    %mul3A_107 = vector.broadcast %mul3A_106 : f32 to vector<512x128xf32>
    %mul3A_108 = arith.mulf %dot_general3A_105, %mul3A_107 : vector<512x128xf32>
    %floor3A = math.floor %mul3A_108 : vector<512x128xf32>
    %mul3A_109 = arith.constant 2.560000e+02 : f32
    %mul3A_110 = vector.broadcast %mul3A_109 : f32 to vector<512x128xf32>
    %mul3A_111 = arith.mulf %floor3A, %mul3A_110 : vector<512x128xf32>
    %sub3A_112 = arith.subf %dot_general3A_105, %mul3A_111 : vector<512x128xf32>
    %iota3A_113 = tpu.iota {dimensions = array<i32: 0>} : vector<128x2048xi32>
    %iota3A_114 = tpu.iota {dimensions = array<i32: 1>} : vector<128x2048xi32>
    %jit3A_115 = arith.constant 16 : i32
    %div3A_116 = vector.broadcast %jit3A_115 : i32 to vector<128x2048xi32>
    %div3A_117 = arith.divsi %iota3A_114, %div3A_116 : vector<128x2048xi32>
    %sign3A_118 = arith.constant 0 : i32
    %sign3A_119 = vector.broadcast %sign3A_118 : i32 to vector<128x2048xi32>
    %sign3A_120 = arith.cmpi sgt, %iota3A_114, %sign3A_119 : vector<128x2048xi32>
    %sign3A_121 = arith.extui %sign3A_120 : vector<128x2048xi1> to vector<128x2048xi32>
    %sign3A_122 = arith.constant 0 : i32
    %sign3A_123 = vector.broadcast %sign3A_122 : i32 to vector<128x2048xi32>
    %sign3A_124 = arith.cmpi slt, %iota3A_114, %sign3A_123 : vector<128x2048xi32>
    %sign3A_125 = arith.extui %sign3A_124 : vector<128x2048xi1> to vector<128x2048xi32>
    %sign3A_126 = arith.subi %sign3A_121, %sign3A_125 : vector<128x2048xi32>
    %sign3A_127 = arith.constant 0 : i32
    %sign3A_128 = arith.cmpi sgt, %jit3A_115, %sign3A_127 : i32
    %sign3A_129 = arith.extui %sign3A_128 : i1 to i32
    %sign3A_130 = arith.constant 0 : i32
    %sign3A_131 = arith.cmpi slt, %jit3A_115, %sign3A_130 : i32
    %sign3A_132 = arith.extui %sign3A_131 : i1 to i32
    %sign3A_133 = arith.subi %sign3A_129, %sign3A_132 : i32
    %ne3A_134 = vector.broadcast %sign3A_133 : i32 to vector<128x2048xi32>
    %ne3A_135 = arith.cmpi ne, %sign3A_126, %ne3A_134 : vector<128x2048xi32>
    %rem3A_136 = vector.broadcast %jit3A_115 : i32 to vector<128x2048xi32>
    %rem3A_137 = arith.remsi %iota3A_114, %rem3A_136 : vector<128x2048xi32>
    %ne3A_138 = arith.constant 0 : i32
    %ne3A_139 = vector.broadcast %ne3A_138 : i32 to vector<128x2048xi32>
    %ne3A_140 = arith.cmpi ne, %rem3A_137, %ne3A_139 : vector<128x2048xi32>
    %and3A_141 = arith.andi %ne3A_135, %ne3A_140 : vector<128x2048xi1>
    %sub3A_142 = arith.constant 1 : i32
    %sub3A_143 = vector.broadcast %sub3A_142 : i32 to vector<128x2048xi32>
    %sub3A_144 = arith.subi %div3A_117, %sub3A_143 : vector<128x2048xi32>
    %select_n3A_145 = arith.select %and3A_141, %sub3A_144, %div3A_117 : vector<128x2048xi1>, vector<128x2048xi32>
    %eq3A_146 = arith.cmpi eq, %iota3A_113, %select_n3A_145 : vector<128x2048xi32>
    %convert_element_type3A_147 = arith.extui %eq3A_146 : vector<128x2048xi1> to vector<128x2048xi32>
    %convert_element_type3A_148 = arith.sitofp %convert_element_type3A_147 : vector<128x2048xi32> to vector<128x2048xf32>
    %dot_general3A_149 = arith.constant dense<0.000000e+00> : vector<512x2048xf32>
    %dot_general3A_150 = tpu.matmul %floor3A, %convert_element_type3A_148, %dot_general3A_149 {dimension_numbers = #tpu.dot_dimension_numbers<[1], [0], [0], [1], [0, 0, 1, 1], [], []>, transpose_lhs_hint = false} : vector<512x128xf32>, vector<128x2048xf32>, vector<512x2048xf32> -> vector<512x2048xf32>
    %mul3A_151 = arith.constant 2.560000e+02 : f32
    %mul3A_152 = vector.broadcast %mul3A_151 : f32 to vector<512x2048xf32>
    %mul3A_153 = arith.mulf %dot_general3A_150, %mul3A_152 : vector<512x2048xf32>
    %dot_general3A_154 = arith.constant dense<0.000000e+00> : vector<512x2048xf32>
    %dot_general3A_155 = tpu.matmul %sub3A_112, %convert_element_type3A_148, %dot_general3A_154 {dimension_numbers = #tpu.dot_dimension_numbers<[1], [0], [0], [1], [0, 0, 1, 1], [], []>, transpose_lhs_hint = false} : vector<512x128xf32>, vector<128x2048xf32>, vector<512x2048xf32> -> vector<512x2048xf32>
    %add3A_156 = arith.addf %mul3A_153, %dot_general3A_155 : vector<512x2048xf32>
    %add3A_157 = arith.addf %add3A_68, %add3A_156 : vector<512x2048xf32>
    %iota3A_158 = tpu.iota {dimensions = array<i32: 1>} : vector<512x2048xi32>
    %get3A_159 = arith.constant 0 : index
    %get3A_160 = arith.constant 0 : index
    %get3A_161 = arith.constant 0 : index
    %get3A_162 = vector.load %arg3[%get3A_159, %get3A_160, %get3A_161] : memref<1x512x1xi32, #tpu.memory_space<vmem>>, vector<1x512x1xi32>
    %get3A_163 = vector.shape_cast %get3A_162 : vector<1x512x1xi32> to vector<512x1xi32>
    %eq3A_164 = vector.broadcast %get3A_163 : vector<512x1xi32> to vector<512x2048xi32>
    %eq3A_165 = arith.cmpi eq, %iota3A_158, %eq3A_164 : vector<512x2048xi32>
    %convert_element_type3A_166 = arith.extui %eq3A_165 : vector<512x2048xi1> to vector<512x2048xi32>
    %convert_element_type3A_167 = arith.sitofp %convert_element_type3A_166 : vector<512x2048xi32> to vector<512x2048xf32>
    %get3A_168 = arith.constant 0 : index
    %get3A_169 = arith.constant 0 : index
    %get3A_170 = arith.constant 0 : index
    %get3A_171 = vector.load %arg4[%get3A_168, %get3A_169, %get3A_170] : memref<1x1x2048xf32, #tpu.memory_space<vmem>>, vector<1x1x2048xf32>
    %get3A_172 = vector.shape_cast %get3A_171 : vector<1x1x2048xf32> to vector<1x2048xf32>
    %dot_general3A_173 = arith.constant dense<0.000000e+00> : vector<1x512xf32>
    %dot_general3A_174 = tpu.matmul %get3A_172, %convert_element_type3A_167, %dot_general3A_173 {dimension_numbers = #tpu.dot_dimension_numbers<[1], [1], [0], [0], [0, 0, 1, 0], [], []>, transpose_lhs_hint = false} : vector<1x2048xf32>, vector<512x2048xf32>, vector<1x512xf32> -> vector<1x512xf32>
    %get3A_175 = arith.constant 0 : index
    %get3A_176 = arith.constant 0 : index
    %get3A_177 = arith.constant 0 : index
    %get3A_178 = vector.load %arg5[%get3A_175, %get3A_176, %get3A_177] : memref<1x1x2048xf32, #tpu.memory_space<vmem>>, vector<1x1x2048xf32>
    %get3A_179 = vector.shape_cast %get3A_178 : vector<1x1x2048xf32> to vector<1x2048xf32>
    %dot_general3A_180 = arith.constant dense<0.000000e+00> : vector<1x512xf32>
    %dot_general3A_181 = tpu.matmul %get3A_179, %convert_element_type3A_167, %dot_general3A_180 {dimension_numbers = #tpu.dot_dimension_numbers<[1], [1], [0], [0], [0, 0, 1, 0], [], []>, transpose_lhs_hint = false} : vector<1x2048xf32>, vector<512x2048xf32>, vector<1x512xf32> -> vector<1x512xf32>
    %convert_element_type3A_182 = arith.fptosi %dot_general3A_181 : vector<1x512xf32> to vector<1x512xi32>
    %mul3A_183 = arith.constant 256 : i32
    %mul3A_184 = vector.broadcast %mul3A_183 : i32 to vector<1x512xi32>
    %mul3A_185 = arith.muli %convert_element_type3A_182, %mul3A_184 : vector<1x512xi32>
    %convert_element_type3A_186 = arith.fptosi %dot_general3A_174 : vector<1x512xf32> to vector<1x512xi32>
    %add3A_187 = arith.addi %mul3A_185, %convert_element_type3A_186 : vector<1x512xi32>
    %swap3A = arith.constant 0 : index
    %swap3A_188 = arith.constant 0 : index
    %swap3A_189 = arith.constant 0 : index
    %swap3A_190 = vector.load %arg7[%swap3A, %swap3A_188, %swap3A_189] : memref<1x1x512xi32, #tpu.memory_space<vmem>>, vector<1x1x512xi32>
    %swap3A_191 = vector.shape_cast %swap3A_190 : vector<1x1x512xi32> to vector<1x512xi32>
    %swap3A_192 = vector.shape_cast %add3A_187 : vector<1x512xi32> to vector<1x1x512xi32>
    tpu.vector_store %arg7[%swap3A, %swap3A_188, %swap3A_189], %swap3A_192 {strides = array<i32>} : memref<1x1x512xi32, #tpu.memory_space<vmem>>, vector<1x1x512xi32>,
    %get3A_193 = arith.constant 0 : index
    %get3A_194 = arith.constant 0 : index
    %get3A_195 = arith.constant 0 : index
    %get3A_196 = vector.load %arg6[%get3A_193, %get3A_194, %get3A_195] : memref<1x2048x128xf32, #tpu.memory_space<vmem>>, vector<1x2048x128xf32>
    %get3A_197 = vector.shape_cast %get3A_196 : vector<1x2048x128xf32> to vector<2048x128xf32>
    %le3A_198 = arith.constant 3.200000e+01 : f32
    %le3A_199 = vector.broadcast %le3A_198 : f32 to vector<512x2048xf32>
    %le3A_200 = arith.cmpf ole, %add3A_157, %le3A_199 : vector<512x2048xf32>
    %jit3A_201 = arith.constant 1.000000e+00 : f32
    %jit3A_202 = arith.constant 0.000000e+00 : f32
    %broadcast_in_dim3A_203 = vector.broadcast %jit3A_201 : f32 to vector<512x2048xf32>
    %broadcast_in_dim3A_204 = vector.broadcast %jit3A_202 : f32 to vector<512x2048xf32>
    %select_n3A_205 = arith.select %le3A_200, %broadcast_in_dim3A_203, %broadcast_in_dim3A_204 : vector<512x2048xi1>, vector<512x2048xf32>
    %mul3A_206 = arith.mulf %select_n3A, %select_n3A_205 : vector<512x2048xf32>
    %slice3A_207 = vector.extract_strided_slice %add3A_157 {offsets = [0, 2047], sizes = [512, 1], strides = [1, 1]} : vector<512x2048xf32> to vector<512x1xf32>
    %sub3A_208 = arith.constant 3.200000e+01 : f32
    %sub3A_209 = vector.broadcast %sub3A_208 : f32 to vector<512x1xf32>
    %sub3A_210 = arith.subf %sub3A_209, %slice3A_207 : vector<512x1xf32>
    %max3A = arith.constant 0.000000e+00 : f32
    %max3A_211 = vector.broadcast %max3A : f32 to vector<512x1xf32>
    %max3A_212 = arith.maximumf %sub3A_210, %max3A_211 : vector<512x1xf32>
    %eq3A_213 = arith.constant 1.000000e+00 : f32
    %eq3A_214 = vector.broadcast %eq3A_213 : f32 to vector<512x2048xf32>
    %eq3A_215 = arith.cmpf oeq, %add3A_157, %eq3A_214 : vector<512x2048xf32>
    %jit3A_216 = arith.constant 1.000000e+00 : f32
    %jit3A_217 = arith.constant 0.000000e+00 : f32
    %broadcast_in_dim3A_218 = vector.broadcast %jit3A_216 : f32 to vector<512x2048xf32>
    %broadcast_in_dim3A_219 = vector.broadcast %jit3A_217 : f32 to vector<512x2048xf32>
    %select_n3A_220 = arith.select %eq3A_215, %broadcast_in_dim3A_218, %broadcast_in_dim3A_219 : vector<512x2048xi1>, vector<512x2048xf32>
    %mul3A_221 = arith.mulf %select_n3A, %select_n3A_220 : vector<512x2048xf32>
    %mul3A_222 = vector.broadcast %max3A_212 : vector<512x1xf32> to vector<512x2048xf32>
    %mul3A_223 = arith.mulf %mul3A_221, %mul3A_222 : vector<512x2048xf32>
    %add3A_224 = arith.addf %mul3A_206, %mul3A_223 : vector<512x2048xf32>
    %broadcast_in_dim3A_225 = arith.constant 0.000000e+00 : f32
    %broadcast_in_dim3A_226 = vector.broadcast %broadcast_in_dim3A_225 : f32 to vector<512x1xf32>
    %add3A_227 = arith.constant 1.000000e+00 : f32
    %add3A_228 = vector.broadcast %add3A_227 : f32 to vector<512x1xf32>
    %add3A_229 = arith.addf %broadcast_in_dim3A_226, %add3A_228 : vector<512x1xf32>
    %dot_general3A_230 = arith.constant dense<0.000000e+00> : vector<2048x1xf32>
    %dot_general3A_231 = tpu.matmul %add3A_224, %add3A_229, %dot_general3A_230 {dimension_numbers = #tpu.dot_dimension_numbers<[0], [0], [1], [1], [0, 1, 1, 1], [], []>, transpose_lhs_hint = false} : vector<512x2048xf32>, vector<512x1xf32>, vector<2048x1xf32> -> vector<2048x1xf32>
    %mul3A_232 = vector.broadcast %dot_general3A_231 : vector<2048x1xf32> to vector<2048x128xf32>
    %mul3A_233 = arith.mulf %get3A_197, %mul3A_232 : vector<2048x128xf32>
    %dot_general3A_234 = arith.constant dense<0.000000e+00> : vector<128x128xf32>
    %dot_general3A_235 = tpu.matmul %mul3A_233, %get3A_197, %dot_general3A_234 {dimension_numbers = #tpu.dot_dimension_numbers<[0], [0], [1], [1], [0, 1, 1, 1], [], []>, transpose_lhs_hint = false} : vector<2048x128xf32>, vector<2048x128xf32>, vector<128x128xf32> -> vector<128x128xf32>
    %dot_general3A_236 = arith.constant dense<0.000000e+00> : vector<512x128xf32>
    %dot_general3A_237 = tpu.matmul %add3A_224, %get3A_197, %dot_general3A_236 {dimension_numbers = #tpu.dot_dimension_numbers<[1], [0], [0], [1], [0, 0, 1, 1], [], []>, transpose_lhs_hint = false} : vector<512x2048xf32>, vector<2048x128xf32>, vector<512x128xf32> -> vector<512x128xf32>
    %dot_general3A_238 = arith.constant dense<0.000000e+00> : vector<128x3xf32>
    %dot_general3A_239 = tpu.matmul %dot_general3A_237, %get3A_3, %dot_general3A_238 {dimension_numbers = #tpu.dot_dimension_numbers<[0], [0], [1], [1], [0, 1, 1, 1], [], []>, transpose_lhs_hint = false} : vector<512x128xf32>, vector<512x3xf32>, vector<128x3xf32> -> vector<128x3xf32>
    %dot_general3A_240 = arith.constant dense<0.000000e+00> : vector<3x3xf32>
    %dot_general3A_241 = tpu.matmul %get3A_3, %get3A_3, %dot_general3A_240 {dimension_numbers = #tpu.dot_dimension_numbers<[0], [0], [1], [1], [0, 1, 1, 1], [], []>, transpose_lhs_hint = false} : vector<512x3xf32>, vector<512x3xf32>, vector<3x3xf32> -> vector<3x3xf32>
    %mul3A_242 = arith.constant 3.200000e+01 : f32
    %mul3A_243 = vector.broadcast %mul3A_242 : f32 to vector<3x3xf32>
    %mul3A_244 = arith.mulf %dot_general3A_241, %mul3A_243 : vector<3x3xf32>
    %reduce_sum3A_245 = arith.constant dense<0.000000e+00> : vector<128xf32>
    %reduce_sum3A_246 = vector.multi_reduction <add>, %dot_general3A_237, %reduce_sum3A_245 [0] : vector<512x128xf32> to vector<128xf32>
    %broadcast_in_dim3A_247 = vector.shape_cast %reduce_sum3A_246 : vector<128xf32> to vector<1x128xf32>
    %reduce_sum3A_248 = arith.constant dense<0.000000e+00> : vector<3xf32>
    %reduce_sum3A_249 = vector.multi_reduction <add>, %get3A_3, %reduce_sum3A_248 [0] : vector<512x3xf32> to vector<3xf32>
    %broadcast_in_dim3A_250 = vector.shape_cast %reduce_sum3A_249 : vector<3xf32> to vector<1x3xf32>
    %mul3A_251 = arith.constant 3.200000e+01 : f32
    %mul3A_252 = vector.broadcast %mul3A_251 : f32 to vector<1x3xf32>
    %mul3A_253 = arith.mulf %broadcast_in_dim3A_250, %mul3A_252 : vector<1x3xf32>
    %eq3A_254 = arith.constant 0 : i32
    %eq3A_255 = arith.cmpi eq, %arg0, %eq3A_254 : i32
    %convert_element_type3A_256 = arith.extui %eq3A_255 : i1 to i32
    %cond3A = arith.constant 0 : i32
    %cond3A_257 = arith.cmpi ne, %convert_element_type3A_256, %cond3A : i32
    scf.if %cond3A_257 {
      %broadcast_in_dim3A_298 = arith.constant 0.000000e+00 : f32
      %broadcast_in_dim3A_299 = vector.broadcast %broadcast_in_dim3A_298 : f32 to vector<128x128xf32>
      %swap3A_300 = arith.constant 0 : index
      %swap3A_301 = arith.constant 0 : index
      %swap3A_302 = vector.load %arg13[%swap3A_300, %swap3A_301] : memref<128x128xf32, #tpu.memory_space<vmem>>, vector<128x128xf32>
      tpu.vector_store %arg13[%swap3A_300, %swap3A_301], %broadcast_in_dim3A_299 {strides = array<i32>} : memref<128x128xf32, #tpu.memory_space<vmem>>, vector<128x128xf32>,
      %broadcast_in_dim3A_303 = arith.constant 0.000000e+00 : f32
      %broadcast_in_dim3A_304 = vector.broadcast %broadcast_in_dim3A_303 : f32 to vector<128x3xf32>
      %swap3A_305 = arith.constant 0 : index
      %swap3A_306 = arith.constant 0 : index
      %swap3A_307 = vector.load %arg14[%swap3A_305, %swap3A_306] : memref<128x3xf32, #tpu.memory_space<vmem>>, vector<128x3xf32>
      tpu.vector_store %arg14[%swap3A_305, %swap3A_306], %broadcast_in_dim3A_304 {strides = array<i32>} : memref<128x3xf32, #tpu.memory_space<vmem>>, vector<128x3xf32>,
      %broadcast_in_dim3A_308 = arith.constant 0.000000e+00 : f32
      %broadcast_in_dim3A_309 = vector.broadcast %broadcast_in_dim3A_308 : f32 to vector<3x3xf32>
      %swap3A_310 = arith.constant 0 : index
      %swap3A_311 = arith.constant 0 : index
      %swap3A_312 = vector.load %arg15[%swap3A_310, %swap3A_311] : memref<3x3xf32, #tpu.memory_space<vmem>>, vector<3x3xf32>
      tpu.vector_store %arg15[%swap3A_310, %swap3A_311], %broadcast_in_dim3A_309 {strides = array<i32>} : memref<3x3xf32, #tpu.memory_space<vmem>>, vector<3x3xf32>,
      %broadcast_in_dim3A_313 = arith.constant 0.000000e+00 : f32
      %broadcast_in_dim3A_314 = vector.broadcast %broadcast_in_dim3A_313 : f32 to vector<1x128xf32>
      %swap3A_315 = arith.constant 0 : index
      %swap3A_316 = arith.constant 0 : index
      %swap3A_317 = vector.load %arg16[%swap3A_315, %swap3A_316] : memref<1x128xf32, #tpu.memory_space<vmem>>, vector<1x128xf32>
      tpu.vector_store %arg16[%swap3A_315, %swap3A_316], %broadcast_in_dim3A_314 {strides = array<i32>} : memref<1x128xf32, #tpu.memory_space<vmem>>, vector<1x128xf32>,
      %broadcast_in_dim3A_318 = arith.constant 0.000000e+00 : f32
      %broadcast_in_dim3A_319 = vector.broadcast %broadcast_in_dim3A_318 : f32 to vector<1x3xf32>
      %swap3A_320 = arith.constant 0 : index
      %swap3A_321 = arith.constant 0 : index
      %swap3A_322 = vector.load %arg17[%swap3A_320, %swap3A_321] : memref<1x3xf32, #tpu.memory_space<vmem>>, vector<1x3xf32>
      tpu.vector_store %arg17[%swap3A_320, %swap3A_321], %broadcast_in_dim3A_319 {strides = array<i32>} : memref<1x3xf32, #tpu.memory_space<vmem>>, vector<1x3xf32>,
    } else {
    }
    %get3A_258 = arith.constant 0 : index
    %get3A_259 = arith.constant 0 : index
    %get3A_260 = vector.load %arg13[%get3A_258, %get3A_259] : memref<128x128xf32, #tpu.memory_space<vmem>>, vector<128x128xf32>
    %add3A_261 = arith.addf %get3A_260, %dot_general3A_235 : vector<128x128xf32>
    %swap3A_262 = arith.constant 0 : index
    %swap3A_263 = arith.constant 0 : index
    %swap3A_264 = vector.load %arg13[%swap3A_262, %swap3A_263] : memref<128x128xf32, #tpu.memory_space<vmem>>, vector<128x128xf32>
    tpu.vector_store %arg13[%swap3A_262, %swap3A_263], %add3A_261 {strides = array<i32>} : memref<128x128xf32, #tpu.memory_space<vmem>>, vector<128x128xf32>,
    %get3A_265 = arith.constant 0 : index
    %get3A_266 = arith.constant 0 : index
    %get3A_267 = vector.load %arg14[%get3A_265, %get3A_266] : memref<128x3xf32, #tpu.memory_space<vmem>>, vector<128x3xf32>
    %add3A_268 = arith.addf %get3A_267, %dot_general3A_239 : vector<128x3xf32>
    %swap3A_269 = arith.constant 0 : index
    %swap3A_270 = arith.constant 0 : index
    %swap3A_271 = vector.load %arg14[%swap3A_269, %swap3A_270] : memref<128x3xf32, #tpu.memory_space<vmem>>, vector<128x3xf32>
    tpu.vector_store %arg14[%swap3A_269, %swap3A_270], %add3A_268 {strides = array<i32>} : memref<128x3xf32, #tpu.memory_space<vmem>>, vector<128x3xf32>,
    %get3A_272 = arith.constant 0 : index
    %get3A_273 = arith.constant 0 : index
    %get3A_274 = vector.load %arg15[%get3A_272, %get3A_273] : memref<3x3xf32, #tpu.memory_space<vmem>>, vector<3x3xf32>
    %add3A_275 = arith.addf %get3A_274, %mul3A_244 : vector<3x3xf32>
    %swap3A_276 = arith.constant 0 : index
    %swap3A_277 = arith.constant 0 : index
    %swap3A_278 = vector.load %arg15[%swap3A_276, %swap3A_277] : memref<3x3xf32, #tpu.memory_space<vmem>>, vector<3x3xf32>
    tpu.vector_store %arg15[%swap3A_276, %swap3A_277], %add3A_275 {strides = array<i32>} : memref<3x3xf32, #tpu.memory_space<vmem>>, vector<3x3xf32>,
    %get3A_279 = arith.constant 0 : index
    %get3A_280 = arith.constant 0 : index
    %get3A_281 = vector.load %arg16[%get3A_279, %get3A_280] : memref<1x128xf32, #tpu.memory_space<vmem>>, vector<1x128xf32>
    %add3A_282 = arith.addf %get3A_281, %broadcast_in_dim3A_247 : vector<1x128xf32>
    %swap3A_283 = arith.constant 0 : index
    %swap3A_284 = arith.constant 0 : index
    %swap3A_285 = vector.load %arg16[%swap3A_283, %swap3A_284] : memref<1x128xf32, #tpu.memory_space<vmem>>, vector<1x128xf32>
    tpu.vector_store %arg16[%swap3A_283, %swap3A_284], %add3A_282 {strides = array<i32>} : memref<1x128xf32, #tpu.memory_space<vmem>>, vector<1x128xf32>,
    %get3A_286 = arith.constant 0 : index
    %get3A_287 = arith.constant 0 : index
    %get3A_288 = vector.load %arg17[%get3A_286, %get3A_287] : memref<1x3xf32, #tpu.memory_space<vmem>>, vector<1x3xf32>
    %add3A_289 = arith.addf %get3A_288, %mul3A_253 : vector<1x3xf32>
    %swap3A_290 = arith.constant 0 : index
    %swap3A_291 = arith.constant 0 : index
    %swap3A_292 = vector.load %arg17[%swap3A_290, %swap3A_291] : memref<1x3xf32, #tpu.memory_space<vmem>>, vector<1x3xf32>
    tpu.vector_store %arg17[%swap3A_290, %swap3A_291], %add3A_289 {strides = array<i32>} : memref<1x3xf32, #tpu.memory_space<vmem>>, vector<1x3xf32>,
    %eq3A_293 = arith.constant 7 : i32
    %eq3A_294 = arith.cmpi eq, %arg0, %eq3A_293 : i32
    %convert_element_type3A_295 = arith.extui %eq3A_294 : i1 to i32
    %cond3A_296 = arith.constant 0 : i32
    %cond3A_297 = arith.cmpi ne, %convert_element_type3A_295, %cond3A_296 : i32
    scf.if %cond3A_297 {
      %get3A_298 = arith.constant 0 : index
      %get3A_299 = arith.constant 0 : index
      %get3A_300 = vector.load %arg13[%get3A_298, %get3A_299] : memref<128x128xf32, #tpu.memory_space<vmem>>, vector<128x128xf32>
      %swap3A_301 = arith.constant 0 : index
      %swap3A_302 = arith.constant 0 : index
      %swap3A_303 = vector.load %arg8[%swap3A_301, %swap3A_302] : memref<128x128xf32, #tpu.memory_space<vmem>>, vector<128x128xf32>
      tpu.vector_store %arg8[%swap3A_301, %swap3A_302], %get3A_300 {strides = array<i32>} : memref<128x128xf32, #tpu.memory_space<vmem>>, vector<128x128xf32>,
      %get3A_304 = arith.constant 0 : index
      %get3A_305 = arith.constant 0 : index
      %get3A_306 = vector.load %arg14[%get3A_304, %get3A_305] : memref<128x3xf32, #tpu.memory_space<vmem>>, vector<128x3xf32>
      %swap3A_307 = arith.constant 0 : index
      %swap3A_308 = arith.constant 0 : index
      %swap3A_309 = vector.load %arg9[%swap3A_307, %swap3A_308] : memref<128x3xf32, #tpu.memory_space<vmem>>, vector<128x3xf32>
      tpu.vector_store %arg9[%swap3A_307, %swap3A_308], %get3A_306 {strides = array<i32>} : memref<128x3xf32, #tpu.memory_space<vmem>>, vector<128x3xf32>,
      %get3A_310 = arith.constant 0 : index
      %get3A_311 = arith.constant 0 : index
      %get3A_312 = vector.load %arg15[%get3A_310, %get3A_311] : memref<3x3xf32, #tpu.memory_space<vmem>>, vector<3x3xf32>
      %swap3A_313 = arith.constant 0 : index
      %swap3A_314 = arith.constant 0 : index
      %swap3A_315 = vector.load %arg10[%swap3A_313, %swap3A_314] : memref<3x3xf32, #tpu.memory_space<vmem>>, vector<3x3xf32>
      tpu.vector_store %arg10[%swap3A_313, %swap3A_314], %get3A_312 {strides = array<i32>} : memref<3x3xf32, #tpu.memory_space<vmem>>, vector<3x3xf32>,
      %get3A_316 = arith.constant 0 : index
      %get3A_317 = arith.constant 0 : index
      %get3A_318 = vector.load %arg16[%get3A_316, %get3A_317] : memref<1x128xf32, #tpu.memory_space<vmem>>, vector<1x128xf32>
      %swap3A_319 = arith.constant 0 : index
      %swap3A_320 = arith.constant 0 : index
      %swap3A_321 = vector.load %arg11[%swap3A_319, %swap3A_320] : memref<1x128xf32, #tpu.memory_space<vmem>>, vector<1x128xf32>
      tpu.vector_store %arg11[%swap3A_319, %swap3A_320], %get3A_318 {strides = array<i32>} : memref<1x128xf32, #tpu.memory_space<vmem>>, vector<1x128xf32>,
      %get3A_322 = arith.constant 0 : index
      %get3A_323 = arith.constant 0 : index
      %get3A_324 = vector.load %arg17[%get3A_322, %get3A_323] : memref<1x3xf32, #tpu.memory_space<vmem>>, vector<1x3xf32>
      %swap3A_325 = arith.constant 0 : index
      %swap3A_326 = arith.constant 0 : index
      %swap3A_327 = vector.load %arg12[%swap3A_325, %swap3A_326] : memref<1x3xf32, #tpu.memory_space<vmem>>, vector<1x3xf32>
      tpu.vector_store %arg12[%swap3A_325, %swap3A_326], %get3A_324 {strides = array<i32>} : memref<1x3xf32, #tpu.memory_space<vmem>>, vector<1x3xf32>,
    } else {
    }
    return
  }
  func.func @transform_0(%arg0: i32) -> (i32, i32, i32) {
    %c0_i32 = arith.constant 0 : i32
    %c0_i32_0 = arith.constant 0 : i32
    %c0_i32_1 = arith.constant 0 : i32
    return %arg0, %c0_i32, %c0_i32_0 : i32, i32, i32
  }
  func.func @transform_1(%arg0: i32) -> (i32, i32, i32) {
    %c0_i32 = arith.constant 0 : i32
    %c0_i32_0 = arith.constant 0 : i32
    %c0_i32_1 = arith.constant 0 : i32
    return %arg0, %c0_i32, %c0_i32_0 : i32, i32, i32
  }
  func.func @transform_2(%arg0: i32) -> (i32, i32, i32) {
    %c0_i32 = arith.constant 0 : i32
    %c0_i32_0 = arith.constant 0 : i32
    %c0_i32_1 = arith.constant 0 : i32
    return %arg0, %c0_i32, %c0_i32_0 : i32, i32, i32
  }
  func.func @transform_3(%arg0: i32) -> (i32, i32, i32) {
    %c0_i32 = arith.constant 0 : i32
    %c0_i32_0 = arith.constant 0 : i32
    %c0_i32_1 = arith.constant 0 : i32
    return %arg0, %c0_i32, %c0_i32_0 : i32, i32, i32
  }
  func.func @transform_4(%arg0: i32) -> (i32, i32, i32) {
    %c0_i32 = arith.constant 0 : i32
    %c0_i32_0 = arith.constant 0 : i32
    %c0_i32_1 = arith.constant 0 : i32
    return %arg0, %c0_i32, %c0_i32_0 : i32, i32, i32
  }
  func.func @transform_5(%arg0: i32) -> (i32, i32, i32) {
    %c0_i32 = arith.constant 0 : i32
    %c0_i32_0 = arith.constant 0 : i32
    %c0_i32_1 = arith.constant 0 : i32
    return %arg0, %c0_i32, %c0_i32_0 : i32, i32, i32
  }
  func.func @transform_6(%arg0: i32) -> (i32, i32, i32) {
    %c0_i32 = arith.constant 0 : i32
    %c0_i32_0 = arith.constant 0 : i32
    %c0_i32_1 = arith.constant 0 : i32
    return %arg0, %c0_i32, %c0_i32_0 : i32, i32, i32
  }
  func.func @transform_7(%arg0: i32) -> (i32, i32) {
    %c0_i32 = arith.constant 0 : i32
    %c0_i32_0 = arith.constant 0 : i32
    %c0_i32_1 = arith.constant 0 : i32
    return %c0_i32, %c0_i32_0 : i32, i32
  }
  func.func @transform_8(%arg0: i32) -> (i32, i32) {
    %c0_i32 = arith.constant 0 : i32
    %c0_i32_0 = arith.constant 0 : i32
    %c0_i32_1 = arith.constant 0 : i32
    return %c0_i32, %c0_i32_0 : i32, i32
  }
  func.func @transform_9(%arg0: i32) -> (i32, i32) {
    %c0_i32 = arith.constant 0 : i32
    %c0_i32_0 = arith.constant 0 : i32
    %c0_i32_1 = arith.constant 0 : i32
    return %c0_i32, %c0_i32_0 : i32, i32
  }
  func.func @transform_10(%arg0: i32) -> (i32, i32) {
    %c0_i32 = arith.constant 0 : i32
    %c0_i32_0 = arith.constant 0 : i32
    %c0_i32_1 = arith.constant 0 : i32
    return %c0_i32, %c0_i32_0 : i32, i32
  }
  func.func @transform_11(%arg0: i32) -> (i32, i32) {
    %c0_i32 = arith.constant 0 : i32
    %c0_i32_0 = arith.constant 0 : i32
    %c0_i32_1 = arith.constant 0 : i32
    return %c0_i32, %c0_i32_0 : i32, i32
  }
}

module attributes {stable_mosaic.version = 14 : i64} {
  func.func @_mlp0_body(%arg0: i32, %arg1: memref<4096x128xf32, #tpu.memory_space<vmem>>, %arg2: memref<128x3xf32, #tpu.memory_space<vmem>>, %arg3: memref<64x128xf32, #tpu.memory_space<vmem>>, %arg4: memref<64x3xf32, #tpu.memory_space<vmem>>, %arg5: memref<1x64xf32, #tpu.memory_space<vmem>>, %arg6: memref<1x64xf32, #tpu.memory_space<vmem>>, %arg7: memref<1x64xf32, #tpu.memory_space<vmem>>, %arg8: memref<128x128xf32, #tpu.memory_space<vmem>>, %arg9: memref<128x3xf32, #tpu.memory_space<vmem>>, %arg10: memref<3x3xf32, #tpu.memory_space<vmem>>, %arg11: memref<1x128xf32, #tpu.memory_space<vmem>>, %arg12: memref<1x3xf32, #tpu.memory_space<vmem>>, %arg13: memref<4096x64xf32, #tpu.memory_space<vmem>>, %arg14: memref<64x64xf32, #tpu.memory_space<vmem>>, %arg15: memref<1x64xf32, #tpu.memory_space<vmem>>, %arg16: memref<64x128xf32, #tpu.memory_space<vmem>>, %arg17: memref<64x3xf32, #tpu.memory_space<vmem>>, %arg18: memref<1x64xf32, #tpu.memory_space<vmem>>, %arg19: memref<64x64xf32, #tpu.memory_space<vmem>>, %arg20: memref<1x64xf32, #tpu.memory_space<vmem>>) attributes {dimension_semantics = [#tpu.dimension_semantics<arbitrary>], iteration_bounds = array<i64: 32>, scalar_prefetch = 0 : i64, scratch_operands = 5 : i64, tpu.core_type = #tpu.core_type<tc>, window_params = [{transform_indices = @transform_0, window_bounds = array<i64: 4096, 128>}, {transform_indices = @transform_1, window_bounds = array<i64: 128, 3>}, {pipeline_mode = #tpu.pipeline_mode<synchronous>, transform_indices = @transform_2, window_bounds = array<i64: 64, 128>}, {pipeline_mode = #tpu.pipeline_mode<synchronous>, transform_indices = @transform_3, window_bounds = array<i64: 64, 3>}, {pipeline_mode = #tpu.pipeline_mode<synchronous>, transform_indices = @transform_4, window_bounds = array<i64: 1, 64>}, {pipeline_mode = #tpu.pipeline_mode<synchronous>, transform_indices = @transform_5, window_bounds = array<i64: 1, 64>}, {pipeline_mode = #tpu.pipeline_mode<synchronous>, transform_indices = @transform_6, window_bounds = array<i64: 1, 64>}, {pipeline_mode = #tpu.pipeline_mode<synchronous>, transform_indices = @transform_7, window_bounds = array<i64: 128, 128>}, {pipeline_mode = #tpu.pipeline_mode<synchronous>, transform_indices = @transform_8, window_bounds = array<i64: 128, 3>}, {pipeline_mode = #tpu.pipeline_mode<synchronous>, transform_indices = @transform_9, window_bounds = array<i64: 3, 3>}, {pipeline_mode = #tpu.pipeline_mode<synchronous>, transform_indices = @transform_10, window_bounds = array<i64: 1, 128>}, {pipeline_mode = #tpu.pipeline_mode<synchronous>, transform_indices = @transform_11, window_bounds = array<i64: 1, 3>}, {transform_indices = @transform_12, window_bounds = array<i64: 4096, 64>}, {pipeline_mode = #tpu.pipeline_mode<synchronous>, transform_indices = @transform_13, window_bounds = array<i64: 64, 64>}, {pipeline_mode = #tpu.pipeline_mode<synchronous>, transform_indices = @transform_14, window_bounds = array<i64: 1, 64>}]} {
    %eq3A = arith.constant 0 : i32
    %eq3A_0 = arith.cmpi eq, %arg0, %eq3A : i32
    %convert_element_type3A = arith.extui %eq3A_0 : i1 to i32
    %cond3A = arith.constant 0 : i32
    %cond3A_1 = arith.cmpi ne, %convert_element_type3A, %cond3A : i32
    scf.if %cond3A_1 {
      %get3A_81 = arith.constant 0 : index
      %get3A_82 = arith.constant 0 : index
      %get3A_83 = vector.load %arg3[%get3A_81, %get3A_82] : memref<64x128xf32, #tpu.memory_space<vmem>>, vector<64x128xf32>
      %get3A_84 = arith.constant 0 : index
      %get3A_85 = arith.constant 0 : index
      %get3A_86 = vector.load %arg4[%get3A_84, %get3A_85] : memref<64x3xf32, #tpu.memory_space<vmem>>, vector<64x3xf32>
      %get3A_87 = arith.constant 0 : index
      %get3A_88 = arith.constant 0 : index
      %get3A_89 = vector.load %arg11[%get3A_87, %get3A_88] : memref<1x128xf32, #tpu.memory_space<vmem>>, vector<1x128xf32>
      %dot_general3A_90 = arith.constant dense<0.000000e+00> : vector<1x64xf32>
      %dot_general3A_91 = tpu.matmul %get3A_89, %get3A_83, %dot_general3A_90 {dimension_numbers = #tpu.dot_dimension_numbers<[1], [1], [0], [0], [0, 0, 1, 0], [], []>, transpose_lhs_hint = false} : vector<1x128xf32>, vector<64x128xf32>, vector<1x64xf32> -> vector<1x64xf32>
      %get3A_92 = arith.constant 0 : index
      %get3A_93 = arith.constant 0 : index
      %get3A_94 = vector.load %arg12[%get3A_92, %get3A_93] : memref<1x3xf32, #tpu.memory_space<vmem>>, vector<1x3xf32>
      %dot_general3A_95 = arith.constant dense<0.000000e+00> : vector<1x64xf32>
      %dot_general3A_96 = tpu.matmul %get3A_94, %get3A_86, %dot_general3A_95 {dimension_numbers = #tpu.dot_dimension_numbers<[1], [1], [0], [0], [0, 0, 1, 0], [], []>, transpose_lhs_hint = false} : vector<1x3xf32>, vector<64x3xf32>, vector<1x64xf32> -> vector<1x64xf32>
      %add3A_97 = arith.addf %dot_general3A_91, %dot_general3A_96 : vector<1x64xf32>
      %mul3A = arith.constant 7.62939453E-6 : f32
      %mul3A_98 = vector.broadcast %mul3A : f32 to vector<1x64xf32>
      %mul3A_99 = arith.mulf %add3A_97, %mul3A_98 : vector<1x64xf32>
      %get3A_100 = arith.constant 0 : index
      %get3A_101 = arith.constant 0 : index
      %get3A_102 = vector.load %arg8[%get3A_100, %get3A_101] : memref<128x128xf32, #tpu.memory_space<vmem>>, vector<128x128xf32>
      %dot_general3A_103 = arith.constant dense<0.000000e+00> : vector<64x128xf32>
      %dot_general3A_104 = tpu.matmul %get3A_83, %get3A_102, %dot_general3A_103 {dimension_numbers = #tpu.dot_dimension_numbers<[1], [0], [0], [1], [0, 0, 1, 1], [], []>, transpose_lhs_hint = false} : vector<64x128xf32>, vector<128x128xf32>, vector<64x128xf32> -> vector<64x128xf32>
      %mul3A_105 = arith.mulf %dot_general3A_104, %get3A_83 : vector<64x128xf32>
      %reduce_sum3A_106 = arith.constant dense<0.000000e+00> : vector<64xf32>
      %reduce_sum3A_107 = vector.multi_reduction <add>, %mul3A_105, %reduce_sum3A_106 [1] : vector<64x128xf32> to vector<64xf32>
      %broadcast_in_dim3A_108 = vector.shape_cast %reduce_sum3A_107 : vector<64xf32> to vector<64x1xf32>
      %get3A_109 = arith.constant 0 : index
      %get3A_110 = arith.constant 0 : index
      %get3A_111 = vector.load %arg9[%get3A_109, %get3A_110] : memref<128x3xf32, #tpu.memory_space<vmem>>, vector<128x3xf32>
      %dot_general3A_112 = arith.constant dense<0.000000e+00> : vector<64x3xf32>
      %dot_general3A_113 = tpu.matmul %get3A_83, %get3A_111, %dot_general3A_112 {dimension_numbers = #tpu.dot_dimension_numbers<[1], [0], [0], [1], [0, 0, 1, 1], [], []>, transpose_lhs_hint = false} : vector<64x128xf32>, vector<128x3xf32>, vector<64x3xf32> -> vector<64x3xf32>
      %mul3A_114 = arith.mulf %dot_general3A_113, %get3A_86 : vector<64x3xf32>
      %reduce_sum3A_115 = arith.constant dense<0.000000e+00> : vector<64xf32>
      %reduce_sum3A_116 = vector.multi_reduction <add>, %mul3A_114, %reduce_sum3A_115 [1] : vector<64x3xf32> to vector<64xf32>
      %broadcast_in_dim3A_117 = vector.shape_cast %reduce_sum3A_116 : vector<64xf32> to vector<64x1xf32>
      %mul3A_118 = arith.constant 2.000000e+00 : f32
      %mul3A_119 = vector.broadcast %mul3A_118 : f32 to vector<64x1xf32>
      %mul3A_120 = arith.mulf %mul3A_119, %broadcast_in_dim3A_117 : vector<64x1xf32>
      %add3A_121 = arith.addf %broadcast_in_dim3A_108, %mul3A_120 : vector<64x1xf32>
      %get3A_122 = arith.constant 0 : index
      %get3A_123 = arith.constant 0 : index
      %get3A_124 = vector.load %arg10[%get3A_122, %get3A_123] : memref<3x3xf32, #tpu.memory_space<vmem>>, vector<3x3xf32>
      %dot_general3A_125 = arith.constant dense<0.000000e+00> : vector<64x3xf32>
      %dot_general3A_126 = tpu.matmul %get3A_86, %get3A_124, %dot_general3A_125 {dimension_numbers = #tpu.dot_dimension_numbers<[1], [0], [0], [1], [0, 0, 1, 1], [], []>, transpose_lhs_hint = false} : vector<64x3xf32>, vector<3x3xf32>, vector<64x3xf32> -> vector<64x3xf32>
      %mul3A_127 = arith.mulf %dot_general3A_126, %get3A_86 : vector<64x3xf32>
      %reduce_sum3A_128 = arith.constant dense<0.000000e+00> : vector<64xf32>
      %reduce_sum3A_129 = vector.multi_reduction <add>, %mul3A_127, %reduce_sum3A_128 [1] : vector<64x3xf32> to vector<64xf32>
      %broadcast_in_dim3A_130 = vector.shape_cast %reduce_sum3A_129 : vector<64xf32> to vector<64x1xf32>
      %add3A_131 = arith.addf %add3A_121, %broadcast_in_dim3A_130 : vector<64x1xf32>
      %iota3A_132 = tpu.iota {dimensions = array<i32: 0>} : vector<64x64xi32>
      %iota3A_133 = tpu.iota {dimensions = array<i32: 1>} : vector<64x64xi32>
      %eq3A_134 = arith.cmpi eq, %iota3A_132, %iota3A_133 : vector<64x64xi32>
      %convert_element_type3A_135 = arith.extui %eq3A_134 : vector<64x64xi1> to vector<64x64xi32>
      %convert_element_type3A_136 = arith.sitofp %convert_element_type3A_135 : vector<64x64xi32> to vector<64x64xf32>
      %dot_general3A_137 = arith.constant dense<0.000000e+00> : vector<1x64xf32>
      %dot_general3A_138 = tpu.matmul %add3A_131, %convert_element_type3A_136, %dot_general3A_137 {dimension_numbers = #tpu.dot_dimension_numbers<[0], [0], [1], [1], [0, 1, 1, 1], [], []>, transpose_lhs_hint = false} : vector<64x1xf32>, vector<64x64xf32>, vector<1x64xf32> -> vector<1x64xf32>
      %mul3A_139 = arith.constant 7.62939453E-6 : f32
      %mul3A_140 = vector.broadcast %mul3A_139 : f32 to vector<1x64xf32>
      %mul3A_141 = arith.mulf %dot_general3A_138, %mul3A_140 : vector<1x64xf32>
      %mul3A_142 = arith.mulf %mul3A_99, %mul3A_99 : vector<1x64xf32>
      %sub3A_143 = arith.subf %mul3A_141, %mul3A_142 : vector<1x64xf32>
      %get3A_144 = arith.constant 0 : index
      %get3A_145 = arith.constant 0 : index
      %get3A_146 = vector.load %arg6[%get3A_144, %get3A_145] : memref<1x64xf32, #tpu.memory_space<vmem>>, vector<1x64xf32>
      %add3A_147 = arith.constant 9.99999974E-6 : f32
      %add3A_148 = vector.broadcast %add3A_147 : f32 to vector<1x64xf32>
      %add3A_149 = arith.addf %sub3A_143, %add3A_148 : vector<1x64xf32>
      %sqrt3A = math.sqrt %add3A_149 : vector<1x64xf32>
      %div3A_150 = arith.divf %get3A_146, %sqrt3A : vector<1x64xf32>
      %neg3A = arith.constant 0.000000e+00 : f32
      %neg3A_151 = vector.broadcast %neg3A : f32 to vector<1x64xf32>
      %neg3A_152 = arith.subf %neg3A_151, %mul3A_99 : vector<1x64xf32>
      %mul3A_153 = arith.mulf %div3A_150, %neg3A_152 : vector<1x64xf32>
      %get3A_154 = arith.constant 0 : index
      %get3A_155 = arith.constant 0 : index
      %get3A_156 = vector.load %arg7[%get3A_154, %get3A_155] : memref<1x64xf32, #tpu.memory_space<vmem>>, vector<1x64xf32>
      %add3A_157 = arith.addf %mul3A_153, %get3A_156 : vector<1x64xf32>
      %swap3A_158 = arith.constant 0 : index
      %swap3A_159 = arith.constant 0 : index
      %swap3A_160 = vector.load %arg18[%swap3A_158, %swap3A_159] : memref<1x64xf32, #tpu.memory_space<vmem>>, vector<1x64xf32>
      tpu.vector_store %arg18[%swap3A_158, %swap3A_159], %add3A_157 {strides = array<i32>} : memref<1x64xf32, #tpu.memory_space<vmem>>, vector<1x64xf32>,
      %dot_general3A_161 = arith.constant dense<0.000000e+00> : vector<64x1xf32>
      %dot_general3A_162 = tpu.matmul %convert_element_type3A_136, %div3A_150, %dot_general3A_161 {dimension_numbers = #tpu.dot_dimension_numbers<[1], [1], [0], [0], [0, 0, 1, 0], [], []>, transpose_lhs_hint = false} : vector<64x64xf32>, vector<1x64xf32>, vector<64x1xf32> -> vector<64x1xf32>
      %get3A_163 = arith.constant 0 : index
      %get3A_164 = arith.constant 0 : index
      %get3A_165 = vector.load %arg3[%get3A_163, %get3A_164] : memref<64x128xf32, #tpu.memory_space<vmem>>, vector<64x128xf32>
      %mul3A_166 = vector.broadcast %dot_general3A_162 : vector<64x1xf32> to vector<64x128xf32>
      %mul3A_167 = arith.mulf %get3A_165, %mul3A_166 : vector<64x128xf32>
      %swap3A_168 = arith.constant 0 : index
      %swap3A_169 = arith.constant 0 : index
      %swap3A_170 = vector.load %arg16[%swap3A_168, %swap3A_169] : memref<64x128xf32, #tpu.memory_space<vmem>>, vector<64x128xf32>
      tpu.vector_store %arg16[%swap3A_168, %swap3A_169], %mul3A_167 {strides = array<i32>} : memref<64x128xf32, #tpu.memory_space<vmem>>, vector<64x128xf32>,
      %get3A_171 = arith.constant 0 : index
      %get3A_172 = arith.constant 0 : index
      %get3A_173 = vector.load %arg4[%get3A_171, %get3A_172] : memref<64x3xf32, #tpu.memory_space<vmem>>, vector<64x3xf32>
      %mul3A_174 = vector.broadcast %dot_general3A_162 : vector<64x1xf32> to vector<64x3xf32>
      %mul3A_175 = arith.mulf %get3A_173, %mul3A_174 : vector<64x3xf32>
      %swap3A_176 = arith.constant 0 : index
      %swap3A_177 = arith.constant 0 : index
      %swap3A_178 = vector.load %arg17[%swap3A_176, %swap3A_177] : memref<64x3xf32, #tpu.memory_space<vmem>>, vector<64x3xf32>
      tpu.vector_store %arg17[%swap3A_176, %swap3A_177], %mul3A_175 {strides = array<i32>} : memref<64x3xf32, #tpu.memory_space<vmem>>, vector<64x3xf32>,
    } else {
    }
    %get3A = arith.constant 0 : index
    %get3A_2 = arith.constant 0 : index
    %get3A_3 = vector.load %arg1[%get3A, %get3A_2] : memref<4096x128xf32, #tpu.memory_space<vmem>>, vector<4096x128xf32>
    %iota3A = tpu.iota {dimensions = array<i32: 0>} : vector<4096x128xi32>
    %jit3A = arith.constant 32 : i32
    %div3A = vector.broadcast %jit3A : i32 to vector<4096x128xi32>
    %div3A_4 = arith.divsi %iota3A, %div3A : vector<4096x128xi32>
    %sign3A = arith.constant 0 : i32
    %sign3A_5 = vector.broadcast %sign3A : i32 to vector<4096x128xi32>
    %sign3A_6 = arith.cmpi sgt, %iota3A, %sign3A_5 : vector<4096x128xi32>
    %sign3A_7 = arith.extui %sign3A_6 : vector<4096x128xi1> to vector<4096x128xi32>
    %sign3A_8 = arith.constant 0 : i32
    %sign3A_9 = vector.broadcast %sign3A_8 : i32 to vector<4096x128xi32>
    %sign3A_10 = arith.cmpi slt, %iota3A, %sign3A_9 : vector<4096x128xi32>
    %sign3A_11 = arith.extui %sign3A_10 : vector<4096x128xi1> to vector<4096x128xi32>
    %sign3A_12 = arith.subi %sign3A_7, %sign3A_11 : vector<4096x128xi32>
    %sign3A_13 = arith.constant 0 : i32
    %sign3A_14 = arith.cmpi sgt, %jit3A, %sign3A_13 : i32
    %sign3A_15 = arith.extui %sign3A_14 : i1 to i32
    %sign3A_16 = arith.constant 0 : i32
    %sign3A_17 = arith.cmpi slt, %jit3A, %sign3A_16 : i32
    %sign3A_18 = arith.extui %sign3A_17 : i1 to i32
    %sign3A_19 = arith.subi %sign3A_15, %sign3A_18 : i32
    %ne3A = vector.broadcast %sign3A_19 : i32 to vector<4096x128xi32>
    %ne3A_20 = arith.cmpi ne, %sign3A_12, %ne3A : vector<4096x128xi32>
    %rem3A = vector.broadcast %jit3A : i32 to vector<4096x128xi32>
    %rem3A_21 = arith.remsi %iota3A, %rem3A : vector<4096x128xi32>
    %ne3A_22 = arith.constant 0 : i32
    %ne3A_23 = vector.broadcast %ne3A_22 : i32 to vector<4096x128xi32>
    %ne3A_24 = arith.cmpi ne, %rem3A_21, %ne3A_23 : vector<4096x128xi32>
    %and3A = arith.andi %ne3A_20, %ne3A_24 : vector<4096x128xi1>
    %sub3A = arith.constant 1 : i32
    %sub3A_25 = vector.broadcast %sub3A : i32 to vector<4096x128xi32>
    %sub3A_26 = arith.subi %div3A_4, %sub3A_25 : vector<4096x128xi32>
    %select_n3A = arith.select %and3A, %sub3A_26, %div3A_4 : vector<4096x128xi1>, vector<4096x128xi32>
    %iota3A_27 = tpu.iota {dimensions = array<i32: 1>} : vector<4096x128xi32>
    %eq3A_28 = arith.cmpi eq, %select_n3A, %iota3A_27 : vector<4096x128xi32>
    %convert_element_type3A_29 = arith.extui %eq3A_28 : vector<4096x128xi1> to vector<4096x128xi32>
    %convert_element_type3A_30 = arith.sitofp %convert_element_type3A_29 : vector<4096x128xi32> to vector<4096x128xf32>
    %get3A_31 = arith.constant 0 : index
    %get3A_32 = arith.constant 0 : index
    %get3A_33 = vector.load %arg2[%get3A_31, %get3A_32] : memref<128x3xf32, #tpu.memory_space<vmem>>, vector<128x3xf32>
    %dot_general3A = arith.constant dense<0.000000e+00> : vector<4096x3xf32>
    %dot_general3A_34 = tpu.matmul %convert_element_type3A_30, %get3A_33, %dot_general3A {dimension_numbers = #tpu.dot_dimension_numbers<[1], [0], [0], [1], [0, 0, 1, 1], [], []>, transpose_lhs_hint = false} : vector<4096x128xf32>, vector<128x3xf32>, vector<4096x3xf32> -> vector<4096x3xf32>
    %get3A_35 = arith.constant 0 : index
    %get3A_36 = arith.constant 0 : index
    %get3A_37 = vector.load %arg16[%get3A_35, %get3A_36] : memref<64x128xf32, #tpu.memory_space<vmem>>, vector<64x128xf32>
    %dot_general3A_38 = arith.constant dense<0.000000e+00> : vector<4096x64xf32>
    %dot_general3A_39 = tpu.matmul %get3A_3, %get3A_37, %dot_general3A_38 {dimension_numbers = #tpu.dot_dimension_numbers<[1], [1], [0], [0], [0, 0, 1, 0], [], []>, transpose_lhs_hint = false} : vector<4096x128xf32>, vector<64x128xf32>, vector<4096x64xf32> -> vector<4096x64xf32>
    %get3A_40 = arith.constant 0 : index
    %get3A_41 = arith.constant 0 : index
    %get3A_42 = vector.load %arg17[%get3A_40, %get3A_41] : memref<64x3xf32, #tpu.memory_space<vmem>>, vector<64x3xf32>
    %dot_general3A_43 = arith.constant dense<0.000000e+00> : vector<4096x64xf32>
    %dot_general3A_44 = tpu.matmul %dot_general3A_34, %get3A_42, %dot_general3A_43 {dimension_numbers = #tpu.dot_dimension_numbers<[1], [1], [0], [0], [0, 0, 1, 0], [], []>, transpose_lhs_hint = false} : vector<4096x3xf32>, vector<64x3xf32>, vector<4096x64xf32> -> vector<4096x64xf32>
    %add3A = arith.addf %dot_general3A_39, %dot_general3A_44 : vector<4096x64xf32>
    %get3A_45 = arith.constant 0 : index
    %get3A_46 = arith.constant 0 : index
    %get3A_47 = vector.load %arg18[%get3A_45, %get3A_46] : memref<1x64xf32, #tpu.memory_space<vmem>>, vector<1x64xf32>
    %add3A_48 = vector.broadcast %get3A_47 : vector<1x64xf32> to vector<4096x64xf32>
    %add3A_49 = arith.addf %add3A, %add3A_48 : vector<4096x64xf32>
    %max3A = arith.constant 0.000000e+00 : f32
    %max3A_50 = vector.broadcast %max3A : f32 to vector<4096x64xf32>
    %max3A_51 = arith.maximumf %add3A_49, %max3A_50 : vector<4096x64xf32>
    %swap3A = arith.constant 0 : index
    %swap3A_52 = arith.constant 0 : index
    %swap3A_53 = vector.load %arg13[%swap3A, %swap3A_52] : memref<4096x64xf32, #tpu.memory_space<vmem>>, vector<4096x64xf32>
    tpu.vector_store %arg13[%swap3A, %swap3A_52], %max3A_51 {strides = array<i32>} : memref<4096x64xf32, #tpu.memory_space<vmem>>, vector<4096x64xf32>,
    %dot_general3A_54 = arith.constant dense<0.000000e+00> : vector<64x64xf32>
    %dot_general3A_55 = tpu.matmul %max3A_51, %max3A_51, %dot_general3A_54 {dimension_numbers = #tpu.dot_dimension_numbers<[0], [0], [1], [1], [0, 1, 1, 1], [], []>, transpose_lhs_hint = false} : vector<4096x64xf32>, vector<4096x64xf32>, vector<64x64xf32> -> vector<64x64xf32>
    %reduce_sum3A = arith.constant dense<0.000000e+00> : vector<64xf32>
    %reduce_sum3A_56 = vector.multi_reduction <add>, %max3A_51, %reduce_sum3A [0] : vector<4096x64xf32> to vector<64xf32>
    %broadcast_in_dim3A = vector.shape_cast %reduce_sum3A_56 : vector<64xf32> to vector<1x64xf32>
    %eq3A_57 = arith.constant 0 : i32
    %eq3A_58 = arith.cmpi eq, %arg0, %eq3A_57 : i32
    %convert_element_type3A_59 = arith.extui %eq3A_58 : i1 to i32
    %cond3A_60 = arith.constant 0 : i32
    %cond3A_61 = arith.cmpi ne, %convert_element_type3A_59, %cond3A_60 : i32
    scf.if %cond3A_61 {
      %broadcast_in_dim3A_81 = arith.constant 0.000000e+00 : f32
      %broadcast_in_dim3A_82 = vector.broadcast %broadcast_in_dim3A_81 : f32 to vector<64x64xf32>
      %swap3A_83 = arith.constant 0 : index
      %swap3A_84 = arith.constant 0 : index
      %swap3A_85 = vector.load %arg19[%swap3A_83, %swap3A_84] : memref<64x64xf32, #tpu.memory_space<vmem>>, vector<64x64xf32>
      tpu.vector_store %arg19[%swap3A_83, %swap3A_84], %broadcast_in_dim3A_82 {strides = array<i32>} : memref<64x64xf32, #tpu.memory_space<vmem>>, vector<64x64xf32>,
      %broadcast_in_dim3A_86 = arith.constant 0.000000e+00 : f32
      %broadcast_in_dim3A_87 = vector.broadcast %broadcast_in_dim3A_86 : f32 to vector<1x64xf32>
      %swap3A_88 = arith.constant 0 : index
      %swap3A_89 = arith.constant 0 : index
      %swap3A_90 = vector.load %arg20[%swap3A_88, %swap3A_89] : memref<1x64xf32, #tpu.memory_space<vmem>>, vector<1x64xf32>
      tpu.vector_store %arg20[%swap3A_88, %swap3A_89], %broadcast_in_dim3A_87 {strides = array<i32>} : memref<1x64xf32, #tpu.memory_space<vmem>>, vector<1x64xf32>,
    } else {
    }
    %get3A_62 = arith.constant 0 : index
    %get3A_63 = arith.constant 0 : index
    %get3A_64 = vector.load %arg19[%get3A_62, %get3A_63] : memref<64x64xf32, #tpu.memory_space<vmem>>, vector<64x64xf32>
    %add3A_65 = arith.addf %get3A_64, %dot_general3A_55 : vector<64x64xf32>
    %swap3A_66 = arith.constant 0 : index
    %swap3A_67 = arith.constant 0 : index
    %swap3A_68 = vector.load %arg19[%swap3A_66, %swap3A_67] : memref<64x64xf32, #tpu.memory_space<vmem>>, vector<64x64xf32>
    tpu.vector_store %arg19[%swap3A_66, %swap3A_67], %add3A_65 {strides = array<i32>} : memref<64x64xf32, #tpu.memory_space<vmem>>, vector<64x64xf32>,
    %get3A_69 = arith.constant 0 : index
    %get3A_70 = arith.constant 0 : index
    %get3A_71 = vector.load %arg20[%get3A_69, %get3A_70] : memref<1x64xf32, #tpu.memory_space<vmem>>, vector<1x64xf32>
    %add3A_72 = arith.addf %get3A_71, %broadcast_in_dim3A : vector<1x64xf32>
    %swap3A_73 = arith.constant 0 : index
    %swap3A_74 = arith.constant 0 : index
    %swap3A_75 = vector.load %arg20[%swap3A_73, %swap3A_74] : memref<1x64xf32, #tpu.memory_space<vmem>>, vector<1x64xf32>
    tpu.vector_store %arg20[%swap3A_73, %swap3A_74], %add3A_72 {strides = array<i32>} : memref<1x64xf32, #tpu.memory_space<vmem>>, vector<1x64xf32>,
    %eq3A_76 = arith.constant 31 : i32
    %eq3A_77 = arith.cmpi eq, %arg0, %eq3A_76 : i32
    %convert_element_type3A_78 = arith.extui %eq3A_77 : i1 to i32
    %cond3A_79 = arith.constant 0 : i32
    %cond3A_80 = arith.cmpi ne, %convert_element_type3A_78, %cond3A_79 : i32
    scf.if %cond3A_80 {
      %get3A_81 = arith.constant 0 : index
      %get3A_82 = arith.constant 0 : index
      %get3A_83 = vector.load %arg19[%get3A_81, %get3A_82] : memref<64x64xf32, #tpu.memory_space<vmem>>, vector<64x64xf32>
      %swap3A_84 = arith.constant 0 : index
      %swap3A_85 = arith.constant 0 : index
      %swap3A_86 = vector.load %arg14[%swap3A_84, %swap3A_85] : memref<64x64xf32, #tpu.memory_space<vmem>>, vector<64x64xf32>
      tpu.vector_store %arg14[%swap3A_84, %swap3A_85], %get3A_83 {strides = array<i32>} : memref<64x64xf32, #tpu.memory_space<vmem>>, vector<64x64xf32>,
      %get3A_87 = arith.constant 0 : index
      %get3A_88 = arith.constant 0 : index
      %get3A_89 = vector.load %arg20[%get3A_87, %get3A_88] : memref<1x64xf32, #tpu.memory_space<vmem>>, vector<1x64xf32>
      %swap3A_90 = arith.constant 0 : index
      %swap3A_91 = arith.constant 0 : index
      %swap3A_92 = vector.load %arg15[%swap3A_90, %swap3A_91] : memref<1x64xf32, #tpu.memory_space<vmem>>, vector<1x64xf32>
      tpu.vector_store %arg15[%swap3A_90, %swap3A_91], %get3A_89 {strides = array<i32>} : memref<1x64xf32, #tpu.memory_space<vmem>>, vector<1x64xf32>,
    } else {
    }
    return
  }
  func.func @transform_0(%arg0: i32) -> (i32, i32) {
    %c0_i32 = arith.constant 0 : i32
    %c0_i32_0 = arith.constant 0 : i32
    return %arg0, %c0_i32 : i32, i32
  }
  func.func @transform_1(%arg0: i32) -> (i32, i32) {
    %c0_i32 = arith.constant 0 : i32
    %c0_i32_0 = arith.constant 0 : i32
    return %arg0, %c0_i32 : i32, i32
  }
  func.func @transform_2(%arg0: i32) -> (i32, i32) {
    %c0_i32 = arith.constant 0 : i32
    %c0_i32_0 = arith.constant 0 : i32
    %c0_i32_1 = arith.constant 0 : i32
    return %c0_i32, %c0_i32_0 : i32, i32
  }
  func.func @transform_3(%arg0: i32) -> (i32, i32) {
    %c0_i32 = arith.constant 0 : i32
    %c0_i32_0 = arith.constant 0 : i32
    %c0_i32_1 = arith.constant 0 : i32
    return %c0_i32, %c0_i32_0 : i32, i32
  }
  func.func @transform_4(%arg0: i32) -> (i32, i32) {
    %c0_i32 = arith.constant 0 : i32
    %c0_i32_0 = arith.constant 0 : i32
    %c0_i32_1 = arith.constant 0 : i32
    return %c0_i32, %c0_i32_0 : i32, i32
  }
  func.func @transform_5(%arg0: i32) -> (i32, i32) {
    %c0_i32 = arith.constant 0 : i32
    %c0_i32_0 = arith.constant 0 : i32
    %c0_i32_1 = arith.constant 0 : i32
    return %c0_i32, %c0_i32_0 : i32, i32
  }
  func.func @transform_6(%arg0: i32) -> (i32, i32) {
    %c0_i32 = arith.constant 0 : i32
    %c0_i32_0 = arith.constant 0 : i32
    %c0_i32_1 = arith.constant 0 : i32
    return %c0_i32, %c0_i32_0 : i32, i32
  }
  func.func @transform_7(%arg0: i32) -> (i32, i32) {
    %c0_i32 = arith.constant 0 : i32
    %c0_i32_0 = arith.constant 0 : i32
    %c0_i32_1 = arith.constant 0 : i32
    return %c0_i32, %c0_i32_0 : i32, i32
  }
  func.func @transform_8(%arg0: i32) -> (i32, i32) {
    %c0_i32 = arith.constant 0 : i32
    %c0_i32_0 = arith.constant 0 : i32
    %c0_i32_1 = arith.constant 0 : i32
    return %c0_i32, %c0_i32_0 : i32, i32
  }
  func.func @transform_9(%arg0: i32) -> (i32, i32) {
    %c0_i32 = arith.constant 0 : i32
    %c0_i32_0 = arith.constant 0 : i32
    %c0_i32_1 = arith.constant 0 : i32
    return %c0_i32, %c0_i32_0 : i32, i32
  }
  func.func @transform_10(%arg0: i32) -> (i32, i32) {
    %c0_i32 = arith.constant 0 : i32
    %c0_i32_0 = arith.constant 0 : i32
    %c0_i32_1 = arith.constant 0 : i32
    return %c0_i32, %c0_i32_0 : i32, i32
  }
  func.func @transform_11(%arg0: i32) -> (i32, i32) {
    %c0_i32 = arith.constant 0 : i32
    %c0_i32_0 = arith.constant 0 : i32
    %c0_i32_1 = arith.constant 0 : i32
    return %c0_i32, %c0_i32_0 : i32, i32
  }
  func.func @transform_12(%arg0: i32) -> (i32, i32) {
    %c0_i32 = arith.constant 0 : i32
    %c0_i32_0 = arith.constant 0 : i32
    return %arg0, %c0_i32 : i32, i32
  }
  func.func @transform_13(%arg0: i32) -> (i32, i32) {
    %c0_i32 = arith.constant 0 : i32
    %c0_i32_0 = arith.constant 0 : i32
    %c0_i32_1 = arith.constant 0 : i32
    return %c0_i32, %c0_i32_0 : i32, i32
  }
  func.func @transform_14(%arg0: i32) -> (i32, i32) {
    %c0_i32 = arith.constant 0 : i32
    %c0_i32_0 = arith.constant 0 : i32
    %c0_i32_1 = arith.constant 0 : i32
    return %c0_i32, %c0_i32_0 : i32, i32
  }
}

module attributes {stable_mosaic.version = 14 : i64} {
  func.func @body(%arg0: i32, %arg1: memref<4096x64xf32, #tpu.memory_space<vmem>>, %arg2: memref<64x64xf32, #tpu.memory_space<vmem>>, %arg3: memref<1x64xf32, #tpu.memory_space<vmem>>, %arg4: memref<1x64xf32, #tpu.memory_space<vmem>>, %arg5: memref<1x64xf32, #tpu.memory_space<vmem>>, %arg6: memref<64x64xf32, #tpu.memory_space<vmem>>, %arg7: memref<1x64xf32, #tpu.memory_space<vmem>>, %arg8: memref<4096x64xf32, #tpu.memory_space<vmem>>, %arg9: memref<64x64xf32, #tpu.memory_space<vmem>>, %arg10: memref<1x64xf32, #tpu.memory_space<vmem>>, %arg11: memref<64x64xf32, #tpu.memory_space<vmem>>, %arg12: memref<1x64xf32, #tpu.memory_space<vmem>>, %arg13: memref<64x64xf32, #tpu.memory_space<vmem>>, %arg14: memref<1x64xf32, #tpu.memory_space<vmem>>) attributes {dimension_semantics = [#tpu.dimension_semantics<arbitrary>], iteration_bounds = array<i64: 32>, scalar_prefetch = 0 : i64, scratch_operands = 4 : i64, tpu.core_type = #tpu.core_type<tc>, window_params = [{transform_indices = @transform_0, window_bounds = array<i64: 4096, 64>}, {pipeline_mode = #tpu.pipeline_mode<synchronous>, transform_indices = @transform_1, window_bounds = array<i64: 64, 64>}, {pipeline_mode = #tpu.pipeline_mode<synchronous>, transform_indices = @transform_2, window_bounds = array<i64: 1, 64>}, {pipeline_mode = #tpu.pipeline_mode<synchronous>, transform_indices = @transform_3, window_bounds = array<i64: 1, 64>}, {pipeline_mode = #tpu.pipeline_mode<synchronous>, transform_indices = @transform_4, window_bounds = array<i64: 1, 64>}, {pipeline_mode = #tpu.pipeline_mode<synchronous>, transform_indices = @transform_5, window_bounds = array<i64: 64, 64>}, {pipeline_mode = #tpu.pipeline_mode<synchronous>, transform_indices = @transform_6, window_bounds = array<i64: 1, 64>}, {transform_indices = @transform_7, window_bounds = array<i64: 4096, 64>}, {pipeline_mode = #tpu.pipeline_mode<synchronous>, transform_indices = @transform_8, window_bounds = array<i64: 64, 64>}, {pipeline_mode = #tpu.pipeline_mode<synchronous>, transform_indices = @transform_9, window_bounds = array<i64: 1, 64>}]} {
    %eq3A = arith.constant 0 : i32
    %eq3A_0 = arith.cmpi eq, %arg0, %eq3A : i32
    %convert_element_type3A = arith.extui %eq3A_0 : i1 to i32
    %cond3A = arith.constant 0 : i32
    %cond3A_1 = arith.cmpi ne, %convert_element_type3A, %cond3A : i32
    scf.if %cond3A_1 {
      %get3A_43 = arith.constant 0 : index
      %get3A_44 = arith.constant 0 : index
      %get3A_45 = vector.load %arg2[%get3A_43, %get3A_44] : memref<64x64xf32, #tpu.memory_space<vmem>>, vector<64x64xf32>
      %get3A_46 = arith.constant 0 : index
      %get3A_47 = arith.constant 0 : index
      %get3A_48 = vector.load %arg6[%get3A_46, %get3A_47] : memref<64x64xf32, #tpu.memory_space<vmem>>, vector<64x64xf32>
      %get3A_49 = arith.constant 0 : index
      %get3A_50 = arith.constant 0 : index
      %get3A_51 = vector.load %arg7[%get3A_49, %get3A_50] : memref<1x64xf32, #tpu.memory_space<vmem>>, vector<1x64xf32>
      %dot_general3A_52 = arith.constant dense<0.000000e+00> : vector<1x64xf32>
      %dot_general3A_53 = tpu.matmul %get3A_51, %get3A_45, %dot_general3A_52 {dimension_numbers = #tpu.dot_dimension_numbers<[1], [1], [0], [0], [0, 0, 1, 0], [], []>, transpose_lhs_hint = false} : vector<1x64xf32>, vector<64x64xf32>, vector<1x64xf32> -> vector<1x64xf32>
      %mul3A = arith.constant 7.62939453E-6 : f32
      %mul3A_54 = vector.broadcast %mul3A : f32 to vector<1x64xf32>
      %mul3A_55 = arith.mulf %dot_general3A_53, %mul3A_54 : vector<1x64xf32>
      %dot_general3A_56 = arith.constant dense<0.000000e+00> : vector<64x64xf32>
      %dot_general3A_57 = tpu.matmul %get3A_45, %get3A_48, %dot_general3A_56 {dimension_numbers = #tpu.dot_dimension_numbers<[1], [0], [0], [1], [0, 0, 1, 1], [], []>, transpose_lhs_hint = false} : vector<64x64xf32>, vector<64x64xf32>, vector<64x64xf32> -> vector<64x64xf32>
      %mul3A_58 = arith.mulf %dot_general3A_57, %get3A_45 : vector<64x64xf32>
      %reduce_sum3A_59 = arith.constant dense<0.000000e+00> : vector<64xf32>
      %reduce_sum3A_60 = vector.multi_reduction <add>, %mul3A_58, %reduce_sum3A_59 [1] : vector<64x64xf32> to vector<64xf32>
      %broadcast_in_dim3A_61 = vector.shape_cast %reduce_sum3A_60 : vector<64xf32> to vector<64x1xf32>
      %iota3A = tpu.iota {dimensions = array<i32: 0>} : vector<64x64xi32>
      %iota3A_62 = tpu.iota {dimensions = array<i32: 1>} : vector<64x64xi32>
      %eq3A_63 = arith.cmpi eq, %iota3A, %iota3A_62 : vector<64x64xi32>
      %convert_element_type3A_64 = arith.extui %eq3A_63 : vector<64x64xi1> to vector<64x64xi32>
      %convert_element_type3A_65 = arith.sitofp %convert_element_type3A_64 : vector<64x64xi32> to vector<64x64xf32>
      %dot_general3A_66 = arith.constant dense<0.000000e+00> : vector<1x64xf32>
      %dot_general3A_67 = tpu.matmul %broadcast_in_dim3A_61, %convert_element_type3A_65, %dot_general3A_66 {dimension_numbers = #tpu.dot_dimension_numbers<[0], [0], [1], [1], [0, 1, 1, 1], [], []>, transpose_lhs_hint = false} : vector<64x1xf32>, vector<64x64xf32>, vector<1x64xf32> -> vector<1x64xf32>
      %mul3A_68 = arith.constant 7.62939453E-6 : f32
      %mul3A_69 = vector.broadcast %mul3A_68 : f32 to vector<1x64xf32>
      %mul3A_70 = arith.mulf %dot_general3A_67, %mul3A_69 : vector<1x64xf32>
      %mul3A_71 = arith.mulf %mul3A_55, %mul3A_55 : vector<1x64xf32>
      %sub3A = arith.subf %mul3A_70, %mul3A_71 : vector<1x64xf32>
      %get3A_72 = arith.constant 0 : index
      %get3A_73 = arith.constant 0 : index
      %get3A_74 = vector.load %arg4[%get3A_72, %get3A_73] : memref<1x64xf32, #tpu.memory_space<vmem>>, vector<1x64xf32>
      %add3A_75 = arith.constant 9.99999974E-6 : f32
      %add3A_76 = vector.broadcast %add3A_75 : f32 to vector<1x64xf32>
      %add3A_77 = arith.addf %sub3A, %add3A_76 : vector<1x64xf32>
      %sqrt3A = math.sqrt %add3A_77 : vector<1x64xf32>
      %div3A = arith.divf %get3A_74, %sqrt3A : vector<1x64xf32>
      %get3A_78 = arith.constant 0 : index
      %get3A_79 = arith.constant 0 : index
      %get3A_80 = vector.load %arg3[%get3A_78, %get3A_79] : memref<1x64xf32, #tpu.memory_space<vmem>>, vector<1x64xf32>
      %add3A_81 = arith.addf %mul3A_55, %get3A_80 : vector<1x64xf32>
      %get3A_82 = arith.constant 0 : index
      %get3A_83 = arith.constant 0 : index
      %get3A_84 = vector.load %arg3[%get3A_82, %get3A_83] : memref<1x64xf32, #tpu.memory_space<vmem>>, vector<1x64xf32>
      %sub3A_85 = arith.subf %get3A_84, %add3A_81 : vector<1x64xf32>
      %mul3A_86 = arith.mulf %div3A, %sub3A_85 : vector<1x64xf32>
      %get3A_87 = arith.constant 0 : index
      %get3A_88 = arith.constant 0 : index
      %get3A_89 = vector.load %arg5[%get3A_87, %get3A_88] : memref<1x64xf32, #tpu.memory_space<vmem>>, vector<1x64xf32>
      %add3A_90 = arith.addf %mul3A_86, %get3A_89 : vector<1x64xf32>
      %swap3A_91 = arith.constant 0 : index
      %swap3A_92 = arith.constant 0 : index
      %swap3A_93 = vector.load %arg12[%swap3A_91, %swap3A_92] : memref<1x64xf32, #tpu.memory_space<vmem>>, vector<1x64xf32>
      tpu.vector_store %arg12[%swap3A_91, %swap3A_92], %add3A_90 {strides = array<i32>} : memref<1x64xf32, #tpu.memory_space<vmem>>, vector<1x64xf32>,
      %dot_general3A_94 = arith.constant dense<0.000000e+00> : vector<64x1xf32>
      %dot_general3A_95 = tpu.matmul %convert_element_type3A_65, %div3A, %dot_general3A_94 {dimension_numbers = #tpu.dot_dimension_numbers<[1], [1], [0], [0], [0, 0, 1, 0], [], []>, transpose_lhs_hint = false} : vector<64x64xf32>, vector<1x64xf32>, vector<64x1xf32> -> vector<64x1xf32>
      %mul3A_96 = vector.broadcast %dot_general3A_95 : vector<64x1xf32> to vector<64x64xf32>
      %mul3A_97 = arith.mulf %get3A_45, %mul3A_96 : vector<64x64xf32>
      %swap3A_98 = arith.constant 0 : index
      %swap3A_99 = arith.constant 0 : index
      %swap3A_100 = vector.load %arg11[%swap3A_98, %swap3A_99] : memref<64x64xf32, #tpu.memory_space<vmem>>, vector<64x64xf32>
      tpu.vector_store %arg11[%swap3A_98, %swap3A_99], %mul3A_97 {strides = array<i32>} : memref<64x64xf32, #tpu.memory_space<vmem>>, vector<64x64xf32>,
    } else {
    }
    %get3A = arith.constant 0 : index
    %get3A_2 = arith.constant 0 : index
    %get3A_3 = vector.load %arg1[%get3A, %get3A_2] : memref<4096x64xf32, #tpu.memory_space<vmem>>, vector<4096x64xf32>
    %get3A_4 = arith.constant 0 : index
    %get3A_5 = arith.constant 0 : index
    %get3A_6 = vector.load %arg11[%get3A_4, %get3A_5] : memref<64x64xf32, #tpu.memory_space<vmem>>, vector<64x64xf32>
    %dot_general3A = arith.constant dense<0.000000e+00> : vector<4096x64xf32>
    %dot_general3A_7 = tpu.matmul %get3A_3, %get3A_6, %dot_general3A {dimension_numbers = #tpu.dot_dimension_numbers<[1], [1], [0], [0], [0, 0, 1, 0], [], []>, transpose_lhs_hint = false} : vector<4096x64xf32>, vector<64x64xf32>, vector<4096x64xf32> -> vector<4096x64xf32>
    %get3A_8 = arith.constant 0 : index
    %get3A_9 = arith.constant 0 : index
    %get3A_10 = vector.load %arg12[%get3A_8, %get3A_9] : memref<1x64xf32, #tpu.memory_space<vmem>>, vector<1x64xf32>
    %add3A = vector.broadcast %get3A_10 : vector<1x64xf32> to vector<4096x64xf32>
    %add3A_11 = arith.addf %dot_general3A_7, %add3A : vector<4096x64xf32>
    %max3A = arith.constant 0.000000e+00 : f32
    %max3A_12 = vector.broadcast %max3A : f32 to vector<4096x64xf32>
    %max3A_13 = arith.maximumf %add3A_11, %max3A_12 : vector<4096x64xf32>
    %swap3A = arith.constant 0 : index
    %swap3A_14 = arith.constant 0 : index
    %swap3A_15 = vector.load %arg8[%swap3A, %swap3A_14] : memref<4096x64xf32, #tpu.memory_space<vmem>>, vector<4096x64xf32>
    tpu.vector_store %arg8[%swap3A, %swap3A_14], %max3A_13 {strides = array<i32>} : memref<4096x64xf32, #tpu.memory_space<vmem>>, vector<4096x64xf32>,
    %dot_general3A_16 = arith.constant dense<0.000000e+00> : vector<64x64xf32>
    %dot_general3A_17 = tpu.matmul %max3A_13, %max3A_13, %dot_general3A_16 {dimension_numbers = #tpu.dot_dimension_numbers<[0], [0], [1], [1], [0, 1, 1, 1], [], []>, transpose_lhs_hint = false} : vector<4096x64xf32>, vector<4096x64xf32>, vector<64x64xf32> -> vector<64x64xf32>
    %reduce_sum3A = arith.constant dense<0.000000e+00> : vector<64xf32>
    %reduce_sum3A_18 = vector.multi_reduction <add>, %max3A_13, %reduce_sum3A [0] : vector<4096x64xf32> to vector<64xf32>
    %broadcast_in_dim3A = vector.shape_cast %reduce_sum3A_18 : vector<64xf32> to vector<1x64xf32>
    %eq3A_19 = arith.constant 0 : i32
    %eq3A_20 = arith.cmpi eq, %arg0, %eq3A_19 : i32
    %convert_element_type3A_21 = arith.extui %eq3A_20 : i1 to i32
    %cond3A_22 = arith.constant 0 : i32
    %cond3A_23 = arith.cmpi ne, %convert_element_type3A_21, %cond3A_22 : i32
    scf.if %cond3A_23 {
      %broadcast_in_dim3A_43 = arith.constant 0.000000e+00 : f32
      %broadcast_in_dim3A_44 = vector.broadcast %broadcast_in_dim3A_43 : f32 to vector<64x64xf32>
      %swap3A_45 = arith.constant 0 : index
      %swap3A_46 = arith.constant 0 : index
      %swap3A_47 = vector.load %arg13[%swap3A_45, %swap3A_46] : memref<64x64xf32, #tpu.memory_space<vmem>>, vector<64x64xf32>
      tpu.vector_store %arg13[%swap3A_45, %swap3A_46], %broadcast_in_dim3A_44 {strides = array<i32>} : memref<64x64xf32, #tpu.memory_space<vmem>>, vector<64x64xf32>,
      %broadcast_in_dim3A_48 = arith.constant 0.000000e+00 : f32
      %broadcast_in_dim3A_49 = vector.broadcast %broadcast_in_dim3A_48 : f32 to vector<1x64xf32>
      %swap3A_50 = arith.constant 0 : index
      %swap3A_51 = arith.constant 0 : index
      %swap3A_52 = vector.load %arg14[%swap3A_50, %swap3A_51] : memref<1x64xf32, #tpu.memory_space<vmem>>, vector<1x64xf32>
      tpu.vector_store %arg14[%swap3A_50, %swap3A_51], %broadcast_in_dim3A_49 {strides = array<i32>} : memref<1x64xf32, #tpu.memory_space<vmem>>, vector<1x64xf32>,
    } else {
    }
    %get3A_24 = arith.constant 0 : index
    %get3A_25 = arith.constant 0 : index
    %get3A_26 = vector.load %arg13[%get3A_24, %get3A_25] : memref<64x64xf32, #tpu.memory_space<vmem>>, vector<64x64xf32>
    %add3A_27 = arith.addf %get3A_26, %dot_general3A_17 : vector<64x64xf32>
    %swap3A_28 = arith.constant 0 : index
    %swap3A_29 = arith.constant 0 : index
    %swap3A_30 = vector.load %arg13[%swap3A_28, %swap3A_29] : memref<64x64xf32, #tpu.memory_space<vmem>>, vector<64x64xf32>
    tpu.vector_store %arg13[%swap3A_28, %swap3A_29], %add3A_27 {strides = array<i32>} : memref<64x64xf32, #tpu.memory_space<vmem>>, vector<64x64xf32>,
    %get3A_31 = arith.constant 0 : index
    %get3A_32 = arith.constant 0 : index
    %get3A_33 = vector.load %arg14[%get3A_31, %get3A_32] : memref<1x64xf32, #tpu.memory_space<vmem>>, vector<1x64xf32>
    %add3A_34 = arith.addf %get3A_33, %broadcast_in_dim3A : vector<1x64xf32>
    %swap3A_35 = arith.constant 0 : index
    %swap3A_36 = arith.constant 0 : index
    %swap3A_37 = vector.load %arg14[%swap3A_35, %swap3A_36] : memref<1x64xf32, #tpu.memory_space<vmem>>, vector<1x64xf32>
    tpu.vector_store %arg14[%swap3A_35, %swap3A_36], %add3A_34 {strides = array<i32>} : memref<1x64xf32, #tpu.memory_space<vmem>>, vector<1x64xf32>,
    %eq3A_38 = arith.constant 31 : i32
    %eq3A_39 = arith.cmpi eq, %arg0, %eq3A_38 : i32
    %convert_element_type3A_40 = arith.extui %eq3A_39 : i1 to i32
    %cond3A_41 = arith.constant 0 : i32
    %cond3A_42 = arith.cmpi ne, %convert_element_type3A_40, %cond3A_41 : i32
    scf.if %cond3A_42 {
      %get3A_43 = arith.constant 0 : index
      %get3A_44 = arith.constant 0 : index
      %get3A_45 = vector.load %arg13[%get3A_43, %get3A_44] : memref<64x64xf32, #tpu.memory_space<vmem>>, vector<64x64xf32>
      %swap3A_46 = arith.constant 0 : index
      %swap3A_47 = arith.constant 0 : index
      %swap3A_48 = vector.load %arg9[%swap3A_46, %swap3A_47] : memref<64x64xf32, #tpu.memory_space<vmem>>, vector<64x64xf32>
      tpu.vector_store %arg9[%swap3A_46, %swap3A_47], %get3A_45 {strides = array<i32>} : memref<64x64xf32, #tpu.memory_space<vmem>>, vector<64x64xf32>,
      %get3A_49 = arith.constant 0 : index
      %get3A_50 = arith.constant 0 : index
      %get3A_51 = vector.load %arg14[%get3A_49, %get3A_50] : memref<1x64xf32, #tpu.memory_space<vmem>>, vector<1x64xf32>
      %swap3A_52 = arith.constant 0 : index
      %swap3A_53 = arith.constant 0 : index
      %swap3A_54 = vector.load %arg10[%swap3A_52, %swap3A_53] : memref<1x64xf32, #tpu.memory_space<vmem>>, vector<1x64xf32>
      tpu.vector_store %arg10[%swap3A_52, %swap3A_53], %get3A_51 {strides = array<i32>} : memref<1x64xf32, #tpu.memory_space<vmem>>, vector<1x64xf32>,
    } else {
    }
    return
  }
  func.func @transform_0(%arg0: i32) -> (i32, i32) {
    %c0_i32 = arith.constant 0 : i32
    %c0_i32_0 = arith.constant 0 : i32
    return %arg0, %c0_i32 : i32, i32
  }
  func.func @transform_1(%arg0: i32) -> (i32, i32) {
    %c0_i32 = arith.constant 0 : i32
    %c0_i32_0 = arith.constant 0 : i32
    %c0_i32_1 = arith.constant 0 : i32
    return %c0_i32, %c0_i32_0 : i32, i32
  }
  func.func @transform_2(%arg0: i32) -> (i32, i32) {
    %c0_i32 = arith.constant 0 : i32
    %c0_i32_0 = arith.constant 0 : i32
    %c0_i32_1 = arith.constant 0 : i32
    return %c0_i32, %c0_i32_0 : i32, i32
  }
  func.func @transform_3(%arg0: i32) -> (i32, i32) {
    %c0_i32 = arith.constant 0 : i32
    %c0_i32_0 = arith.constant 0 : i32
    %c0_i32_1 = arith.constant 0 : i32
    return %c0_i32, %c0_i32_0 : i32, i32
  }
  func.func @transform_4(%arg0: i32) -> (i32, i32) {
    %c0_i32 = arith.constant 0 : i32
    %c0_i32_0 = arith.constant 0 : i32
    %c0_i32_1 = arith.constant 0 : i32
    return %c0_i32, %c0_i32_0 : i32, i32
  }
  func.func @transform_5(%arg0: i32) -> (i32, i32) {
    %c0_i32 = arith.constant 0 : i32
    %c0_i32_0 = arith.constant 0 : i32
    %c0_i32_1 = arith.constant 0 : i32
    return %c0_i32, %c0_i32_0 : i32, i32
  }
  func.func @transform_6(%arg0: i32) -> (i32, i32) {
    %c0_i32 = arith.constant 0 : i32
    %c0_i32_0 = arith.constant 0 : i32
    %c0_i32_1 = arith.constant 0 : i32
    return %c0_i32, %c0_i32_0 : i32, i32
  }
  func.func @transform_7(%arg0: i32) -> (i32, i32) {
    %c0_i32 = arith.constant 0 : i32
    %c0_i32_0 = arith.constant 0 : i32
    return %arg0, %c0_i32 : i32, i32
  }
  func.func @transform_8(%arg0: i32) -> (i32, i32) {
    %c0_i32 = arith.constant 0 : i32
    %c0_i32_0 = arith.constant 0 : i32
    %c0_i32_1 = arith.constant 0 : i32
    return %c0_i32, %c0_i32_0 : i32, i32
  }
  func.func @transform_9(%arg0: i32) -> (i32, i32) {
    %c0_i32 = arith.constant 0 : i32
    %c0_i32_0 = arith.constant 0 : i32
    %c0_i32_1 = arith.constant 0 : i32
    return %c0_i32, %c0_i32_0 : i32, i32
  }
}

module attributes {stable_mosaic.version = 14 : i64} {
  func.func @body(%arg0: i32, %arg1: memref<4096x64xf32, #tpu.memory_space<vmem>>, %arg2: memref<128x64xf32, #tpu.memory_space<vmem>>, %arg3: memref<1x128xf32, #tpu.memory_space<vmem>>, %arg4: memref<1x128xf32, #tpu.memory_space<vmem>>, %arg5: memref<1x128xf32, #tpu.memory_space<vmem>>, %arg6: memref<64x64xf32, #tpu.memory_space<vmem>>, %arg7: memref<1x64xf32, #tpu.memory_space<vmem>>, %arg8: memref<128x128xf32, #tpu.memory_space<vmem>>, %arg9: memref<128x64xf32, #tpu.memory_space<vmem>>, %arg10: memref<1x128xf32, #tpu.memory_space<vmem>>) attributes {dimension_semantics = [#tpu.dimension_semantics<arbitrary>], iteration_bounds = array<i64: 32>, scalar_prefetch = 0 : i64, scratch_operands = 2 : i64, tpu.core_type = #tpu.core_type<tc>, window_params = [{transform_indices = @transform_0, window_bounds = array<i64: 4096, 64>}, {pipeline_mode = #tpu.pipeline_mode<synchronous>, transform_indices = @transform_1, window_bounds = array<i64: 128, 64>}, {pipeline_mode = #tpu.pipeline_mode<synchronous>, transform_indices = @transform_2, window_bounds = array<i64: 1, 128>}, {pipeline_mode = #tpu.pipeline_mode<synchronous>, transform_indices = @transform_3, window_bounds = array<i64: 1, 128>}, {pipeline_mode = #tpu.pipeline_mode<synchronous>, transform_indices = @transform_4, window_bounds = array<i64: 1, 128>}, {pipeline_mode = #tpu.pipeline_mode<synchronous>, transform_indices = @transform_5, window_bounds = array<i64: 64, 64>}, {pipeline_mode = #tpu.pipeline_mode<synchronous>, transform_indices = @transform_6, window_bounds = array<i64: 1, 64>}, {transform_indices = @transform_7, window_bounds = array<i64: 128, 128>}]} {
    %eq3A = arith.constant 0 : i32
    %eq3A_0 = arith.cmpi eq, %arg0, %eq3A : i32
    %convert_element_type3A = arith.extui %eq3A_0 : i1 to i32
    %cond3A = arith.constant 0 : i32
    %cond3A_1 = arith.cmpi ne, %convert_element_type3A, %cond3A : i32
    scf.if %cond3A_1 {
      %get3A_17 = arith.constant 0 : index
      %get3A_18 = arith.constant 0 : index
      %get3A_19 = vector.load %arg2[%get3A_17, %get3A_18] : memref<128x64xf32, #tpu.memory_space<vmem>>, vector<128x64xf32>
      %get3A_20 = arith.constant 0 : index
      %get3A_21 = arith.constant 0 : index
      %get3A_22 = vector.load %arg6[%get3A_20, %get3A_21] : memref<64x64xf32, #tpu.memory_space<vmem>>, vector<64x64xf32>
      %get3A_23 = arith.constant 0 : index
      %get3A_24 = arith.constant 0 : index
      %get3A_25 = vector.load %arg7[%get3A_23, %get3A_24] : memref<1x64xf32, #tpu.memory_space<vmem>>, vector<1x64xf32>
      %dot_general3A_26 = arith.constant dense<0.000000e+00> : vector<1x128xf32>
      %dot_general3A_27 = tpu.matmul %get3A_25, %get3A_19, %dot_general3A_26 {dimension_numbers = #tpu.dot_dimension_numbers<[1], [1], [0], [0], [0, 0, 1, 0], [], []>, transpose_lhs_hint = false} : vector<1x64xf32>, vector<128x64xf32>, vector<1x128xf32> -> vector<1x128xf32>
      %mul3A = arith.constant 7.62939453E-6 : f32
      %mul3A_28 = vector.broadcast %mul3A : f32 to vector<1x128xf32>
      %mul3A_29 = arith.mulf %dot_general3A_27, %mul3A_28 : vector<1x128xf32>
      %dot_general3A_30 = arith.constant dense<0.000000e+00> : vector<128x64xf32>
      %dot_general3A_31 = tpu.matmul %get3A_19, %get3A_22, %dot_general3A_30 {dimension_numbers = #tpu.dot_dimension_numbers<[1], [0], [0], [1], [0, 0, 1, 1], [], []>, transpose_lhs_hint = false} : vector<128x64xf32>, vector<64x64xf32>, vector<128x64xf32> -> vector<128x64xf32>
      %mul3A_32 = arith.mulf %dot_general3A_31, %get3A_19 : vector<128x64xf32>
      %reduce_sum3A = arith.constant dense<0.000000e+00> : vector<128xf32>
      %reduce_sum3A_33 = vector.multi_reduction <add>, %mul3A_32, %reduce_sum3A [1] : vector<128x64xf32> to vector<128xf32>
      %broadcast_in_dim3A = vector.shape_cast %reduce_sum3A_33 : vector<128xf32> to vector<128x1xf32>
      %iota3A = tpu.iota {dimensions = array<i32: 0>} : vector<128x128xi32>
      %iota3A_34 = tpu.iota {dimensions = array<i32: 1>} : vector<128x128xi32>
      %eq3A_35 = arith.cmpi eq, %iota3A, %iota3A_34 : vector<128x128xi32>
      %convert_element_type3A_36 = arith.extui %eq3A_35 : vector<128x128xi1> to vector<128x128xi32>
      %convert_element_type3A_37 = arith.sitofp %convert_element_type3A_36 : vector<128x128xi32> to vector<128x128xf32>
      %dot_general3A_38 = arith.constant dense<0.000000e+00> : vector<1x128xf32>
      %dot_general3A_39 = tpu.matmul %broadcast_in_dim3A, %convert_element_type3A_37, %dot_general3A_38 {dimension_numbers = #tpu.dot_dimension_numbers<[0], [0], [1], [1], [0, 1, 1, 1], [], []>, transpose_lhs_hint = false} : vector<128x1xf32>, vector<128x128xf32>, vector<1x128xf32> -> vector<1x128xf32>
      %mul3A_40 = arith.constant 7.62939453E-6 : f32
      %mul3A_41 = vector.broadcast %mul3A_40 : f32 to vector<1x128xf32>
      %mul3A_42 = arith.mulf %dot_general3A_39, %mul3A_41 : vector<1x128xf32>
      %mul3A_43 = arith.mulf %mul3A_29, %mul3A_29 : vector<1x128xf32>
      %sub3A = arith.subf %mul3A_42, %mul3A_43 : vector<1x128xf32>
      %get3A_44 = arith.constant 0 : index
      %get3A_45 = arith.constant 0 : index
      %get3A_46 = vector.load %arg4[%get3A_44, %get3A_45] : memref<1x128xf32, #tpu.memory_space<vmem>>, vector<1x128xf32>
      %add3A_47 = arith.constant 9.99999974E-6 : f32
      %add3A_48 = vector.broadcast %add3A_47 : f32 to vector<1x128xf32>
      %add3A_49 = arith.addf %sub3A, %add3A_48 : vector<1x128xf32>
      %sqrt3A = math.sqrt %add3A_49 : vector<1x128xf32>
      %div3A = arith.divf %get3A_46, %sqrt3A : vector<1x128xf32>
      %get3A_50 = arith.constant 0 : index
      %get3A_51 = arith.constant 0 : index
      %get3A_52 = vector.load %arg3[%get3A_50, %get3A_51] : memref<1x128xf32, #tpu.memory_space<vmem>>, vector<1x128xf32>
      %add3A_53 = arith.addf %mul3A_29, %get3A_52 : vector<1x128xf32>
      %get3A_54 = arith.constant 0 : index
      %get3A_55 = arith.constant 0 : index
      %get3A_56 = vector.load %arg3[%get3A_54, %get3A_55] : memref<1x128xf32, #tpu.memory_space<vmem>>, vector<1x128xf32>
      %sub3A_57 = arith.subf %get3A_56, %add3A_53 : vector<1x128xf32>
      %mul3A_58 = arith.mulf %div3A, %sub3A_57 : vector<1x128xf32>
      %get3A_59 = arith.constant 0 : index
      %get3A_60 = arith.constant 0 : index
      %get3A_61 = vector.load %arg5[%get3A_59, %get3A_60] : memref<1x128xf32, #tpu.memory_space<vmem>>, vector<1x128xf32>
      %add3A_62 = arith.addf %mul3A_58, %get3A_61 : vector<1x128xf32>
      %swap3A_63 = arith.constant 0 : index
      %swap3A_64 = arith.constant 0 : index
      %swap3A_65 = vector.load %arg10[%swap3A_63, %swap3A_64] : memref<1x128xf32, #tpu.memory_space<vmem>>, vector<1x128xf32>
      tpu.vector_store %arg10[%swap3A_63, %swap3A_64], %add3A_62 {strides = array<i32>} : memref<1x128xf32, #tpu.memory_space<vmem>>, vector<1x128xf32>,
      %dot_general3A_66 = arith.constant dense<0.000000e+00> : vector<128x1xf32>
      %dot_general3A_67 = tpu.matmul %convert_element_type3A_37, %div3A, %dot_general3A_66 {dimension_numbers = #tpu.dot_dimension_numbers<[1], [1], [0], [0], [0, 0, 1, 0], [], []>, transpose_lhs_hint = false} : vector<128x128xf32>, vector<1x128xf32>, vector<128x1xf32> -> vector<128x1xf32>
      %mul3A_68 = vector.broadcast %dot_general3A_67 : vector<128x1xf32> to vector<128x64xf32>
      %mul3A_69 = arith.mulf %get3A_19, %mul3A_68 : vector<128x64xf32>
      %swap3A_70 = arith.constant 0 : index
      %swap3A_71 = arith.constant 0 : index
      %swap3A_72 = vector.load %arg9[%swap3A_70, %swap3A_71] : memref<128x64xf32, #tpu.memory_space<vmem>>, vector<128x64xf32>
      tpu.vector_store %arg9[%swap3A_70, %swap3A_71], %mul3A_69 {strides = array<i32>} : memref<128x64xf32, #tpu.memory_space<vmem>>, vector<128x64xf32>,
    } else {
    }
    %get3A = arith.constant 0 : index
    %get3A_2 = arith.constant 0 : index
    %get3A_3 = vector.load %arg1[%get3A, %get3A_2] : memref<4096x64xf32, #tpu.memory_space<vmem>>, vector<4096x64xf32>
    %get3A_4 = arith.constant 0 : index
    %get3A_5 = arith.constant 0 : index
    %get3A_6 = vector.load %arg9[%get3A_4, %get3A_5] : memref<128x64xf32, #tpu.memory_space<vmem>>, vector<128x64xf32>
    %dot_general3A = arith.constant dense<0.000000e+00> : vector<4096x128xf32>
    %dot_general3A_7 = tpu.matmul %get3A_3, %get3A_6, %dot_general3A {dimension_numbers = #tpu.dot_dimension_numbers<[1], [1], [0], [0], [0, 0, 1, 0], [], []>, transpose_lhs_hint = false} : vector<4096x64xf32>, vector<128x64xf32>, vector<4096x128xf32> -> vector<4096x128xf32>
    %get3A_8 = arith.constant 0 : index
    %get3A_9 = arith.constant 0 : index
    %get3A_10 = vector.load %arg10[%get3A_8, %get3A_9] : memref<1x128xf32, #tpu.memory_space<vmem>>, vector<1x128xf32>
    %add3A = vector.broadcast %get3A_10 : vector<1x128xf32> to vector<4096x128xf32>
    %add3A_11 = arith.addf %dot_general3A_7, %add3A : vector<4096x128xf32>
    %max3A = arith.constant 0.000000e+00 : f32
    %max3A_12 = vector.broadcast %max3A : f32 to vector<4096x128xf32>
    %max3A_13 = arith.maximumf %add3A_11, %max3A_12 : vector<4096x128xf32>
    %reshape3A = vector.shape_cast %max3A_13 : vector<4096x128xf32> to vector<128x32x128xf32>
    %reduce_max3A = arith.constant dense<0xFF800000> : vector<128x128xf32>
    %reduce_max3A_14 = vector.multi_reduction <maximumf>, %reshape3A, %reduce_max3A [1] : vector<128x32x128xf32> to vector<128x128xf32>
    %swap3A = arith.constant 0 : index
    %swap3A_15 = arith.constant 0 : index
    %swap3A_16 = vector.load %arg8[%swap3A, %swap3A_15] : memref<128x128xf32, #tpu.memory_space<vmem>>, vector<128x128xf32>
    tpu.vector_store %arg8[%swap3A, %swap3A_15], %reduce_max3A_14 {strides = array<i32>} : memref<128x128xf32, #tpu.memory_space<vmem>>, vector<128x128xf32>,
    return
  }
  func.func @transform_0(%arg0: i32) -> (i32, i32) {
    %c0_i32 = arith.constant 0 : i32
    %c0_i32_0 = arith.constant 0 : i32
    return %arg0, %c0_i32 : i32, i32
  }
  func.func @transform_1(%arg0: i32) -> (i32, i32) {
    %c0_i32 = arith.constant 0 : i32
    %c0_i32_0 = arith.constant 0 : i32
    %c0_i32_1 = arith.constant 0 : i32
    return %c0_i32, %c0_i32_0 : i32, i32
  }
  func.func @transform_2(%arg0: i32) -> (i32, i32) {
    %c0_i32 = arith.constant 0 : i32
    %c0_i32_0 = arith.constant 0 : i32
    %c0_i32_1 = arith.constant 0 : i32
    return %c0_i32, %c0_i32_0 : i32, i32
  }
  func.func @transform_3(%arg0: i32) -> (i32, i32) {
    %c0_i32 = arith.constant 0 : i32
    %c0_i32_0 = arith.constant 0 : i32
    %c0_i32_1 = arith.constant 0 : i32
    return %c0_i32, %c0_i32_0 : i32, i32
  }
  func.func @transform_4(%arg0: i32) -> (i32, i32) {
    %c0_i32 = arith.constant 0 : i32
    %c0_i32_0 = arith.constant 0 : i32
    %c0_i32_1 = arith.constant 0 : i32
    return %c0_i32, %c0_i32_0 : i32, i32
  }
  func.func @transform_5(%arg0: i32) -> (i32, i32) {
    %c0_i32 = arith.constant 0 : i32
    %c0_i32_0 = arith.constant 0 : i32
    %c0_i32_1 = arith.constant 0 : i32
    return %c0_i32, %c0_i32_0 : i32, i32
  }
  func.func @transform_6(%arg0: i32) -> (i32, i32) {
    %c0_i32 = arith.constant 0 : i32
    %c0_i32_0 = arith.constant 0 : i32
    %c0_i32_1 = arith.constant 0 : i32
    return %c0_i32, %c0_i32_0 : i32, i32
  }
  func.func @transform_7(%arg0: i32) -> (i32, i32) {
    %c0_i32 = arith.constant 0 : i32
    %c0_i32_0 = arith.constant 0 : i32
    return %arg0, %c0_i32 : i32, i32
  }
}

</mosaic_0001>

<sc_bundles>
// kernel: kernel.9.cloned.1.call-start
scs
__scs_entry_jumppad:
0x0: {  	(pc) =	sbr.rel $0x88, $3  }
0x1: {  	(tag) =	ssettag $0x0;
	lr =	simm.s32 $0x1  }
0x2: {  	[smem:$0x3F92] =	sst lr;
	_ =	strace $0xD0000000  }
0x3: {  	_ = 	snop  }
0x4: {  	_ = 	snop  }
0x5: {  	_ = 	snop  }
0x6: {  	_ = 	snop  }
0x7: {  	_ = 	snop  }
__scs_overlays_trampoline_lowered:
0x8: {  	[smem:$0x3FA1] =	sst s0  }
0x9: {  	[smem:$0x3FA2] =	sst s1  }
0xa: {  	[smem:$0x3FA3] =	sst s2  }
0xb: {  	[smem:$0x3FA4] =	sst s3  }
0xc: {  	[smem:$0x3FA5] =	sst s4  }
0xd: {  	[smem:$0x3FA6] =	sst s5  }
0xe: {  	[smem:$0x3FA7] =	sst s6  }
0xf: {  	[smem:$0x3FA8] =	sst s7  }
0x10: {  	[smem:$0x3FA9] =	sst s8  }
0x11: {  	[smem:$0x3FAA] =	sst s9;
	s0 =	simm.s32 @!p0 $0x0  }
0x12: {  	s1 =	sld [smem:$0x3F90];
	s0 =	simm.s32 @p0 $0x1  }
0x13: {  	[smem:$0x3FAB] =	sst s0;
	s0 =	simm.s32 @!p1 $0x0  }
0x14: {  	s2 =	sld [smem:$0x3F8F];
	s0 =	simm.s32 @p1 $0x1  }
0x15: {  	[smem:$0x3FAC] =	sst s0;
	s0 =	simm.s32 @!p2 $0x0  }
0x16: {  	s3 =	sld [smem:$0x3FDB];
	s0 =	simm.s32 @p2 $0x1  }
0x17: {  	s4 =	simm.s32 $0x1BF5;
	[smem:$0x3FAE] =	sst s0  }
0x18: {  	s0 =	sld [smem:$0x3F91];
	_ =	swait.ge [sflag:s4], $0x0  }
0x19: {  	s7 =	sld [smem:$0x3F92]  }
0x1a: {  	s8 =	sadd.s32 $0xFFFFE003, lr  }
0x1b: {  	s9 =	sadd.s32 $0xFFFFFEF7, lr;
	s5 =	simm.s32 $0xFFFFFFFF;
	p2 =	slt.u32 s8, $0xFFFFF086  }
0x1c: {  	p1 =	slt.u32 s9, $0xF7A;
	s5 =	simm.s32 @!p2 $0x0  }
0x1d: {  	s5 =	simm.s32 @p1 $0x1;
	p0 =	seq.s32 s7, s2  }
0x1e: {  	s7 =	smul.u32 @!p0 $0xF7A, s2;
	p2 =	seq.s32 @!p0 s5, $0x0  }
0x1f: {  	s9 =	smul.u32 $0xF7A, s1;
	s8 =	simm.s32 @!p0 $0x1BF5;
	p2 =	por !p2, p0  }
0x20: {  	[sflag:s8] =	ssyncset.s32 @!p0 $0xFFFFF086;
	s6 =	sadd.s32 @!p0 s3, s7;
	s7 =	simm.s32 @!p0 $0x108  }
0x21: {  	s3 =	sadd.s32 s3, s9;
	s6 =	sadd.s32 @!p0 $0x88, s6;
	s7 =	simm.s32 @p2 $0x1082  }
0x22: {  	[simem:s7], [sflag:s8] =	dma.local @!p0 [hbm:s6], $0xF7A  }
0x23: {  	s9 =	sor.u32 $0xD0000000, s2;
	s6 =	simm.s32 $0x108;
	_ =	swait.ge @!p0 [sflag:s8], $0x0  }
0x24: {  	s3 =	sadd.s32 $0x88, s3;
	s6 =	simm.s32 @!p1 $0x1082;
	[sflag:s4] =	ssyncset.s32 $0xFFFFF086  }
0x25: {  	[simem:s6], [sflag:s4] =	dma.local [hbm:s3], $0xF7A  }
0x26: {  	[smem:$0x3F92] =	sst s1;
	(tag) =	ssettag s2;
	_ =	strace s9  }
0x27: {  	s1 =	sld [smem:$0x3FA2]  }
0x28: {  	s2 =	sld [smem:$0x3FA3]  }
0x29: {  	s4 =	sld [smem:$0x3FA5]  }
0x2a: {  	p0 =	seq.s32 s5, $0x0;
	s5 =	sld [smem:$0x3FA6]  }
0x2b: {  	s6 =	sld [smem:$0x3FA7]  }
0x2c: {  	s7 =	sld [smem:$0x3FA8]  }
0x2d: {  	s3 =	simm.s32 $0x108;
	s8 =	sld [smem:$0x3FA9]  }
0x2e: {  	s3 =	simm.s32 @!p0 $0x1082;
	s9 =	sld [smem:$0x3FAA]  }
0x2f: {  	lr =	sadd.s32 s0, s3;
	s0 =	sld [smem:$0x3FA1]  }
0x30: {  	s3 =	sld [smem:$0x3FA4]  }
0x31: {  	[smem:$0x3FAD] =	sst s10  }
0x32: {  	s10 =	sld [smem:$0x3FAB];
	_ =	sdelay $0x3  }
0x33: {  	p0 =	seq.s32 s10, $0x1;
	s10 =	sld [smem:$0x3FAD];
	_ =	sdelay $0x3  }
0x34: {  	[smem:$0x3FAD] =	sst s10  }
0x35: {  	s10 =	sld [smem:$0x3FAC];
	_ =	sdelay $0x3  }
0x36: {  	p1 =	seq.s32 s10, $0x1;
	s10 =	sld [smem:$0x3FAD];
	_ =	sdelay $0x3  }
0x37: {  	[smem:$0x3FAD] =	sst s10  }
0x38: {  	s10 =	sld [smem:$0x3FAE]  }
0x39: {  	_ = 	snop;
	(pc) =	sbr.ind lr, $3  }
0x3a: {  	_ = 	snop  }
0x3b: {  	_ = 	snop  }
0x3c: {  	p2 =	seq.s32 s10, $0x1;
	s10 =	sld [smem:$0x3FAD]  }
0x3d: {  	_ =	shalt  }
0x3e: {  	_ =	shalt  }
0x3f: {  	_ =	shalt  }
0x40: {  	_ =	shalt  }
0x41: {  	_ =	shalt  }
0x42: {  	_ =	shalt  }
0x43: {  	_ =	shalt  }
0x44: {  	_ =	shalt  }
0x45: {  	_ =	shalt  }
0x46: {  	_ =	shalt  }
0x47: {  	_ =	shalt  }
0x48: {  	_ =	shalt  }
0x49: {  	_ =	shalt  }
0x4a: {  	_ =	shalt  }
0x4b: {  	_ =	shalt  }
0x4c: {  	_ =	shalt  }
0x4d: {  	_ =	shalt  }
0x4e: {  	_ =	shalt  }
0x4f: {  	_ =	shalt  }
0x50: {  	_ =	shalt  }
0x51: {  	_ =	shalt  }
0x52: {  	_ =	shalt  }
0x53: {  	_ =	shalt  }
0x54: {  	_ =	shalt  }
0x55: {  	_ =	shalt  }
0x56: {  	_ =	shalt  }
0x57: {  	_ =	shalt  }
0x58: {  	_ =	shalt  }
0x59: {  	_ =	shalt  }
0x5a: {  	_ =	shalt  }
0x5b: {  	_ =	shalt  }
0x5c: {  	_ =	shalt  }
0x5d: {  	_ =	shalt  }
0x5e: {  	_ =	shalt  }
0x5f: {  	_ =	shalt  }
0x60: {  	_ =	shalt  }
0x61: {  	_ =	shalt  }
0x62: {  	_ =	shalt  }
0x63: {  	_ =	shalt  }
0x64: {  	_ =	shalt  }
0x65: {  	_ =	shalt  }
0x66: {  	_ =	shalt  }
0x67: {  	_ =	shalt  }
0x68: {  	_ =	shalt  }
0x69: {  	_ =	shalt  }
0x6a: {  	_ =	shalt  }
0x6b: {  	_ =	shalt  }
0x6c: {  	_ =	shalt  }
0x6d: {  	_ =	shalt  }
0x6e: {  	_ =	shalt  }
0x6f: {  	_ =	shalt  }
0x70: {  	_ =	shalt  }
0x71: {  	_ =	shalt  }
0x72: {  	_ =	shalt  }
0x73: {  	_ =	shalt  }
0x74: {  	_ =	shalt  }
0x75: {  	_ =	shalt  }
0x76: {  	_ =	shalt  }
0x77: {  	_ =	shalt  }
0x78: {  	_ =	shalt  }
0x79: {  	_ =	shalt  }
0x7a: {  	_ =	shalt  }
0x7b: {  	_ =	shalt  }
0x7c: {  	_ =	shalt  }
0x7d: {  	_ =	shalt  }
0x7e: {  	_ =	shalt  }
0x7f: {  	_ =	shalt  }
0x80: {  	_ =	shalt  }
0x81: {  	_ =	shalt  }
0x82: {  	_ =	shalt  }
0x83: {  	_ =	shalt  }
0x84: {  	_ =	shalt  }
0x85: {  	_ =	shalt  }
0x86: {  	_ =	shalt  }
0x87: {  	_ =	shalt  }
.Lfunc_end0:
.L_simem_size_0:
called_computation_lowered:
.L_overlay_start_0:
0x88: {  	s2 =	sld [smem:$0x3FD9]  }
0x89: {  	s3 =	sld [smem:$0x3FFE];
	_ =	sdelay $0x1  }
0x8a: {  	s1 =	srdreg.scid  }
0x8b: {  	s0 =	sand.u32 $0x1, s1  }
0x8c: {  	s14 =	sshll.u32 s0, $0xA;
	s2 =	sadd.s32 s3, s2  }
0x8d: {  	s2 =	sadd.s32 s2, s14  }
0x8e: {  	[smem:$0x3FB9] =	sst s2  }
0x8f: {  	_ = 	snop  }
0x90: {  	s2 =	sld [smem:$0x3FD0];
	_ =	sdelay $0x2  }
0x91: {  	s15 =	simm.s32 $0xA;
	s4 =	simm.s32 $0x10  }
0x92: {  	[smem:s4], [sflag:s15] =	dma.local [hbm:s2], $0x1  }
0x93: {  	_ =	swait.eq [sflag:s15], $0x1  }
0x94: {  	[sflag:s15] =	ssyncset.done $0x0  }
0x95: {  	[sflag:s15] =	ssyncadd.s32 $0xFFFFFFFF  }
0x96: {  	s16 =	sld [smem:$0x11];
	(tm) =	ssettm $0x1  }
0x97: {  	s17 =	sld [smem:$0x3FFB];
	_ =	sdelay $0x3  }
0x98: {  	_ =	strace s17  }
0x99: {  	s3 =	sld [smem:$0x3FFC];
	_ =	sdelay $0x3  }
0x9a: {  	_ =	strace s3  }
0x9b: {  	s3 =	sld [smem:$0x3FFD];
	_ =	sdelay $0x3  }
0x9c: {  	_ =	strace s3  }
0x9d: {  	_ =	strace $0x8FFFFFFF  }
0x9e: {  	s18 =	sld [smem:$0x3FDB];
	_ =	sdelay $0x1  }
0x9f: {  	s19 =	simm.s32 $_scs_section_size  }
0xa0: {  	s5 =	simm.s32 $_size__tile_overlayer_lowered;
	s6 =	simm.s32 $_tile_overlayer_lowered  }
0xa1: {  	s22 =	simm.s32 $0x1BFF;
	s21 =	sshll.u32 s6, $0x1;
	s3 =	sadd.s32 s19, s18  }
0xa2: {  	s7 =	simm.s32 $0x0;
	s20 =	sshll.u32 s5, $0x1;
	s5 =	sadd.s32 s21, s3  }
0xa3: {  	[timem:s7], [sflag:s22] =	dma.local [hbm:s5], s20  }
0xa4: {  	_ =	swait.ge [sflag:s22], s20  }
0xa5: {  	s4 =	ssub.s32 $0x0, s20;
	[sflag:s22] =	ssyncset.done $0x0  }
0xa6: {  	[sflag:s22] =	ssyncadd.s32 s4;
	_ =	sdelay $0x1  }
0xa7: {  	s23 =	simm.s32 $0x1B8B  }
0xa8: {  	_ =	swait.ge [sflag:s23], $0x1  }
0xa9: {  	[sflag:s23] =	ssyncset.done $0x0  }
0xaa: {  	s25 =	simm.s32 $0x1B8E;
	s24 =	sld [smem:$0x3FFE];
	[sflag:s23] =	ssyncadd.s32 $0xFFFFFFFF  }
0xab: {  	s26 =	simm.s32 $execute0_lowered;
	[smem:$0x3FD2] =	sst s25  }
0xac: {  	s5 =	sshll.u32 s26, $0x1;
	_ =	strace $0x80000046;
	[dreg:$0x1] =	wrdreg $0xFFFFFFFF  }
0xad: {  	s28 =	simm.s32 $_size_execute0_lowered;
	s3 =	sadd.s32 s3, s5;
	[dreg:$0x0] =	wrdreg $0x0  }
0xae: {  	s5 =	sshll.u32 s28, $0x1;
	[dreg:$0x2] =	wrdreg s3  }
0xaf: {  	[dreg:$0x3] =	wrdreg s5  }
0xb0: {  	[dreg:$0x4] =	wrdreg $0xC0  }
0xb1: {  	_ =	task [dreg:s7], $0x5FFFF  }
0xb2: {  	[dreg:$0x1] =	wrdreg $0xFFFFFFFF  }
0xb3: {  	[dreg:$0x0] =	wrdreg $0x60  }
0xb4: {  	[dreg:$0x2] =	wrdreg s16  }
0xb5: {  	[dreg:$0x3] =	wrdreg s24  }
0xb6: {  	[dreg:$0x4] =	wrdreg $0x9  }
0xb7: {  	_ =	task.clear_ibuf [dreg:s7], $0x5FFFF;
	_ =	strace $0x90000046  }
0xb8: {  	s29 =	simm.s32 $0x9;
	_ =	strace $0x80000048  }
0xb9: {  	_ =	swait.ge [sflag:s29], $0x1  }
0xba: {  	[sflag:s29] =	ssyncadd.s32 $0xFFFFFFFF  }
0xbb: {  	_ =	strace $0x90000048  }
0xbc: {  	_ =	sfence  }
0xbd: {  	s30 =	sld [smem:$0x0];
	_ =	sdelay $0x2  }
0xbe: {  	s31 =	sshll.u32 s1, $0xD;
	s1 =	sshrl.u32 s1, $0x2  }
0xbf: {  	s3 =	sand.u32 $0x4000, s31;
	s1 =	sadd.s32 s1, s30  }
0xc0: {  	s0 =	sor.u32 s3, s0;
	s1 =	sshll.u32 s1, $0x11  }
0xc1: {  	s0 =	sor.u32 s1, s0  }
0xc2: {  	s0 =	sadd.s32 $0x8F2B, s0  }
0xc3: {  	[sflag:s0] =	ssyncadd.remote.s32 $0x1  }
0xc4: {  	_ =	sfence.sel $0xFFFF  }
0xc5: {  	[dreg:$0x0] =	wrdreg $0xFFFFFFFF;
	(pc) =	sbr.abs _section_cstart, $3  }
0xc6: {  	[dreg:$0x1] =	wrdreg $0xFFFFFFFF  }
0xc7: {  	_ =	task.clear_ibuf [dreg:s7], $0x2FFFF;
	_ =	strace $0x9FFFFFFF  }
0xc8: {  	(tm) =	ssettm $0x7FFFFFFF  }
0xc9: {  	_ =	shalt  }
tec
execute0_lowered:
.L_overlay_start_1:
0x0: {  	(tag) =	ssettag $0x1  }
0x1: {  	s11 =	rddreg [dreg:$0x0]  }
0x2: {  	s4 =	rddreg [dreg:$0x1]  }
0x3: {  	s0 =	rddreg [dreg:$0x2]  }
0x4: {  	s2 =	simm.s32 $0x0;
	s3 =	srdreg.scid;
	s1 =	stileid.u32  }
0x5: {  	s15 =	simm.s32 $0x4100;
	s16 =	simm.s32 $0x1;
	s17 =	simm.s32 $0x2  }
0x6: {  	s18 =	simm.s32 $0x0;
	[smem:$0x7FF] =	sst s2;
	s9 =	sand.u32 $0x1, s3  }
0x7: {  	s6 =	sshll.u32 s1, $0xD;
	s3 =	sadd.s32 $0x3400, s4;
	s12 =	sadd.s32 $0x43400, s4  }
0x8: {  	s14 =	sshll.u32 s1, $0x11;
	s5 =	ssub.s32 $0x2, s9;
	s7 =	sshll.u32 s9, $0xC  }
0x9: {  	_ =	strace $0x80000047;
	s8 =	sshrl.u32 s5, $0x1;
	s10 =	sor.u32 s7, s6  }
0xa: {  	s9 =	sshll.u32 s9, $0x10;
	s5 =	ssub.s32 s5, s8;
	s25 =	sshrl.u32 s10, $0x3  }
0xb: {  	s6 =	sshll.u32 s10, $0x4;
	s7 =	sor.u32 $0xF80, s10;
	s29 =	sor.u32 $0x80, s10  }
0xc: {  	s10 =	sor.u32 $0x100, s10;
	s4 =	sadd.s32 s11, s25;
	s26 =	sadd.s32 s12, s6  }
0xd: {  	s5 =	smax.u32 s5, $0x1;
	s28 =	sshrl.u32 s7, $0x3;
	s13 =	sshll.u32 s7, $0x4  }
0xe: {  	s30 =	sshrl.u32 s29, $0x3;
	s31 =	sshrl.u32 s10, $0x3;
	s6 =	sadd.s32 s11, s28  }
0xf: {  	s7 =	sadd.s32 $0xF000, s26;
	s8 =	sadd.s32 s12, s13;
	s12 =	sadd.s32 s14, s12  }
0x10: {  	s10 =	sadd.s32 s30, s11;
	s11 =	sadd.s32 s31, s11;
	s13 =	simm.s32 $0x80  }
0x11: {  	s14 =	simm.s32 $0x100;
	s9 =	sadd.s32 s9, s12;
	s12 =	simm.s32 $0x3  }
.LBB2_1:
0x12: {  	[tilespmem:s2], [sflag:$0x3] =	stream.linear.gather [hbm4b:s4+s2], $0x80, $0x38;
	[tilespmem:$0x8100] =	vst v63  }
0x13: {  	_ =	swait.ge [sflag:s12], $0x80  }
0x14: {  	[sflag:s12] =	ssyncset.done $0x0  }
0x15: {  	[sflag:s12] =	ssyncadd.s32 $0xFFFFFF80  }
0x16: {  	[tilespmem:s14], [sflag:$0x1] =	stream.indirect.gather [hbm4b:s3+s13], $0x80, s2, s13, $0xb8;
	[tilespmem:$0x8100] =	vst v63  }
0x17: {  	s19 =	sadd.s32 $0x0, s10  }
0x18: {  	[tilespmem:s13], [sflag:$0x3] =	stream.linear.gather [hbm4b:s19+s2], $0x80, $0x38;
	[tilespmem:$0x8100] =	vst v63  }
0x19: {  	_ =	swait.ge [sflag:s12], $0x80  }
0x1a: {  	[sflag:s12] =	ssyncset.done $0x0  }
0x1b: {  	[sflag:s12] =	ssyncadd.s32 $0xFFFFFF80  }
0x1c: {  	[tilespmem:s15], [sflag:$0x2] =	stream.indirect.gather [hbm4b:s3+s13], $0x80, s13, s13, $0xb8;
	[tilespmem:$0x8100] =	vst v63  }
0x1d: {  	_ =	swait.ge [sflag:s16], $0x4000  }
0x1e: {  	[sflag:s16] =	ssyncset.done $0x0  }
0x1f: {  	[sflag:s16] =	ssyncadd.s32 $0xFFFFC000  }
0x20: {  	[hbm4b:s9+s2] =	stream.linear.scatter [tilespmem:s14], [sflag:$0x3], $0x4000, $0x38;
	[tilespmem:$0x8100] =	vst v63  }
0x21: {  	_ =	swait.ge [sflag:s12], $0x4000  }
0x22: {  	[sflag:s12] =	ssyncset.done $0x0  }
0x23: {  	s30 =	sadd.s32 $0x0, s11;
	[sflag:s12] =	ssyncadd.s32 $0xFFFFC000  }
0x24: {  	[tilespmem:s2], [sflag:$0x3] =	stream.linear.gather [hbm4b:s30+s2], $0x80, $0x38;
	[tilespmem:$0x8100] =	vst v63  }
0x25: {  	_ =	swait.ge [sflag:s12], $0x80  }
0x26: {  	[sflag:s12] =	ssyncset.done $0x0  }
0x27: {  	[sflag:s12] =	ssyncadd.s32 $0xFFFFFF80  }
0x28: {  	[tilespmem:s14], [sflag:$0x1] =	stream.indirect.gather [hbm4b:s3+s13], $0x80, s2, s13, $0xb8;
	[tilespmem:$0x8100] =	vst v63  }
0x29: {  	_ =	swait.ge [sflag:s17], $0x4000  }
0x2a: {  	[sflag:s17] =	ssyncset.done $0x0  }
0x2b: {  	s31 =	sadd.s32 $0x800, s9;
	[sflag:s17] =	ssyncadd.s32 $0xFFFFC000  }
0x2c: {  	[hbm4b:s31+s2] =	stream.linear.scatter [tilespmem:s15], [sflag:$0x3], $0x4000, $0x38;
	[tilespmem:$0x8100] =	vst v63  }
0x2d: {  	s20 =	simm.s32 $0x20;
	_ =	swait.ge [sflag:s12], $0x4000  }
0x2e: {  	s21 =	simm.s32 $0x40;
	s19 =	sadd.s32 $0x1000, s9;
	[sflag:s12] =	ssyncset.done $0x0  }
.LBB2_2:
0x2f: {  	s22 =	sadd.s32 s20, s10  }
0x30: {  	[sflag:s12] =	ssyncadd.s32 $0xFFFFC000;
	s23 =	smov.u32 s21;
	s24 =	sadd.s32 $0x20, s21  }
0x31: {  	[tilespmem:s13], [sflag:$0x3] =	stream.linear.gather [hbm4b:s22+s2], $0x80, $0x38;
	[tilespmem:$0x8100] =	vst v63  }
0x32: {  	p0 =	sne.s32 s21, $0x1C0;
	_ =	swait.ge [sflag:s12], $0x80  }
0x33: {  	[sflag:s12] =	ssyncset.done $0x0  }
0x34: {  	[sflag:s12] =	ssyncadd.s32 $0xFFFFFF80  }
0x35: {  	[tilespmem:s15], [sflag:$0x2] =	stream.indirect.gather [hbm4b:s3+s13], $0x80, s13, s13, $0xb8;
	[tilespmem:$0x8100] =	vst v63  }
0x36: {  	_ =	swait.ge [sflag:s16], $0x4000  }
0x37: {  	[sflag:s16] =	ssyncset.done $0x0  }
0x38: {  	[sflag:s16] =	ssyncadd.s32 $0xFFFFC000  }
0x39: {  	[hbm4b:s19+s2] =	stream.linear.scatter [tilespmem:s14], [sflag:$0x3], $0x4000, $0x38;
	[tilespmem:$0x8100] =	vst v63  }
0x3a: {  	_ =	swait.ge [sflag:s12], $0x4000  }
0x3b: {  	[sflag:s12] =	ssyncset.done $0x0  }
0x3c: {  	s21 =	sadd.s32 s20, s11;
	s20 =	smov.u32 s23;
	[sflag:s12] =	ssyncadd.s32 $0xFFFFC000  }
0x3d: {  	[tilespmem:s2], [sflag:$0x3] =	stream.linear.gather [hbm4b:s21+s2], $0x80, $0x38;
	[tilespmem:$0x8100] =	vst v63  }
0x3e: {  	_ =	swait.ge [sflag:s12], $0x80  }
0x3f: {  	[sflag:s12] =	ssyncset.done $0x0  }
0x40: {  	[sflag:s12] =	ssyncadd.s32 $0xFFFFFF80  }
0x41: {  	[tilespmem:s14], [sflag:$0x1] =	stream.indirect.gather [hbm4b:s3+s13], $0x80, s2, s13, $0xb8;
	[tilespmem:$0x8100] =	vst v63  }
0x42: {  	_ =	swait.ge [sflag:s17], $0x4000  }
.Ltmp0:
0x43: {  	[sflag:s17] =	ssyncset.done $0x0;
	(pc) =	sbr.rel @p0 .LBB2_2-.Ltmp0, $4  }
0x44: {  	s21 =	sadd.s32 $0x800, s19;
	[sflag:s17] =	ssyncadd.s32 $0xFFFFC000  }
0x45: {  	[hbm4b:s21+s2] =	stream.linear.scatter [tilespmem:s15], [sflag:$0x3], $0x4000, $0x38;
	[tilespmem:$0x8100] =	vst v63  }
0x46: {  	_ =	swait.ge [sflag:s12], $0x4000  }
0x47: {  	s19 =	sadd.s32 $0x1000, s19;
	s21 =	smov.u32 s24;
	[sflag:s12] =	ssyncset.done $0x0  }
0x48: {  	s21 =	sadd.s32 s20, s10;
	[sflag:s12] =	ssyncadd.s32 $0xFFFFC000  }
0x49: {  	[tilespmem:s13], [sflag:$0x3] =	stream.linear.gather [hbm4b:s21+s2], $0x80, $0x38;
	[tilespmem:$0x8100] =	vst v63  }
0x4a: {  	_ =	swait.ge [sflag:s12], $0x80  }
0x4b: {  	[sflag:s12] =	ssyncset.done $0x0  }
0x4c: {  	[sflag:s12] =	ssyncadd.s32 $0xFFFFFF80  }
0x4d: {  	[tilespmem:s15], [sflag:$0x2] =	stream.indirect.gather [hbm4b:s3+s13], $0x80, s13, s13, $0xb8;
	[tilespmem:$0x8100] =	vst v63  }
0x4e: {  	_ =	swait.ge [sflag:s16], $0x4000  }
0x4f: {  	[sflag:s16] =	ssyncset.done $0x0  }
0x50: {  	[sflag:s16] =	ssyncadd.s32 $0xFFFFC000  }
0x51: {  	[hbm4b:s19+s2] =	stream.linear.scatter [tilespmem:s14], [sflag:$0x3], $0x4000, $0x38;
	[tilespmem:$0x8100] =	vst v63  }
0x52: {  	_ =	swait.ge [sflag:s12], $0x4000  }
0x53: {  	[sflag:s12] =	ssyncset.done $0x0  }
0x54: {  	s30 =	sadd.s32 s20, s11;
	[sflag:s12] =	ssyncadd.s32 $0xFFFFC000  }
0x55: {  	[tilespmem:s2], [sflag:$0x3] =	stream.linear.gather [hbm4b:s30+s2], $0x80, $0x38;
	[tilespmem:$0x8100] =	vst v63  }
0x56: {  	_ =	swait.ge [sflag:s12], $0x80  }
0x57: {  	[sflag:s12] =	ssyncset.done $0x0  }
0x58: {  	[sflag:s12] =	ssyncadd.s32 $0xFFFFFF80  }
0x59: {  	[tilespmem:s14], [sflag:$0x1] =	stream.indirect.gather [hbm4b:s3+s13], $0x80, s2, s13, $0xb8;
	[tilespmem:$0x8100] =	vst v63  }
0x5a: {  	_ =	swait.ge [sflag:s17], $0x4000  }
0x5b: {  	[sflag:s17] =	ssyncset.done $0x0  }
0x5c: {  	s31 =	sadd.s32 $0x800, s19;
	[sflag:s17] =	ssyncadd.s32 $0xFFFFC000  }
0x5d: {  	[hbm4b:s31+s2] =	stream.linear.scatter [tilespmem:s15], [sflag:$0x3], $0x4000, $0x38;
	[tilespmem:$0x8100] =	vst v63  }
0x5e: {  	_ =	swait.ge [sflag:s12], $0x4000  }
0x5f: {  	[sflag:s12] =	ssyncset.done $0x0  }
0x60: {  	[sflag:s12] =	ssyncadd.s32 $0xFFFFC000  }
0x61: {  	[tilespmem:s13], [sflag:$0x3] =	stream.linear.gather [hbm4b:s6+s2], $0x80, $0x38;
	[tilespmem:$0x8100] =	vst v63  }
0x62: {  	_ =	swait.ge [sflag:s12], $0x80  }
0x63: {  	[sflag:s12] =	ssyncset.done $0x0  }
0x64: {  	[sflag:s12] =	ssyncadd.s32 $0xFFFFFF80  }
0x65: {  	[tilespmem:s15], [sflag:$0x2] =	stream.indirect.gather [hbm4b:s3+s13], $0x80, s13, s13, $0xb8;
	[tilespmem:$0x8100] =	vst v63  }
0x66: {  	_ =	swait.ge [sflag:s16], $0x4000  }
0x67: {  	[sflag:s16] =	ssyncset.done $0x0  }
0x68: {  	[sflag:s16] =	ssyncadd.s32 $0xFFFFC000  }
0x69: {  	[hbm4b:s7+s2] =	stream.linear.scatter [tilespmem:s14], [sflag:$0x3], $0x4000, $0x38;
	[tilespmem:$0x8100] =	vst v63  }
0x6a: {  	_ =	swait.ge [sflag:s12], $0x4000  }
0x6b: {  	[sflag:s12] =	ssyncset.done $0x0  }
0x6c: {  	[sflag:s12] =	ssyncadd.s32 $0xFFFFC000  }
0x6d: {  	s18 =	sadd.s32 $0x1, s18;
	_ =	swait.ge [sflag:s17], $0x4000  }
0x6e: {  	p0 =	sne.s32 s18, s5;
	[sflag:s17] =	ssyncset.done $0x0  }
.Ltmp1:
0x6f: {  	[sflag:s17] =	ssyncadd.s32 $0xFFFFC000;
	(pc) =	sbr.rel @p0 .LBB2_1-.Ltmp1, $4  }
0x70: {  	[hbm4b:s8+s2] =	stream.linear.scatter [tilespmem:s15], [sflag:$0x3], $0x4000, $0x38;
	[tilespmem:$0x8100] =	vst v63  }
0x71: {  	_ =	swait.ge [sflag:s12], $0x4000  }
0x72: {  	[sflag:s12] =	ssyncset.done $0x0  }
0x73: {  	[sflag:s12] =	ssyncadd.s32 $0xFFFFC000  }
0x74: {  	_ =	sfence.sel $0x180000  }
0x75: {  	[bflag:$0x0] =	sbarrier.arrive $0xFFFF  }
0x76: {  	p0 =	sne.s32 s1, $0x0;
	_ =	strace $0x90000047  }
0x77: {  	s0 =	sadd.s32 @!p0 $0x100000, s0;
	[bflag:$0x2] =	sbarrier.arrive $0xFFFF  }
0x78: {  	[sflag:s0] =	ssyncadd.tile.s32 @!p0 $0x1;
	_ =	shalt  }
.Lfunc_end2:
_tile_overlayer_lowered:
.L_overlay_start_2:
0x79: {  	(tag) =	ssettag $0x2  }
0x7a: {  	s0 =	rddreg [dreg:$0x0];
	s2 =	stileid.u32  }
0x7b: {  	s1 =	rddreg [dreg:$0x1];
	p0 =	sne.s32 s2, $0x0  }
0x7c: {  	s3 =	rddreg [dreg:$0x2];
	[bflag:$0x3] =	sbarrier.arrive $0xFFFF;
	s2 =	simm.s32 @!p0 $0x1C03  }
0x7d: {  	[timem:s3], [sflag:s2] =	dma.local @!p0 [hbm:s0], s1  }
0x7e: {  	s0 =	simm.s32 @!p0 $0x3  }
0x7f: {  	_ =	swait.ge @!p0 [sflag:s0], s1  }
0x80: {  	s1 =	ssub.s32 @!p0 $0x0, s1;
	[sflag:s0] =	ssyncset.done @!p0 $0x0  }
0x81: {  	[sflag:s0] =	ssyncadd.s32 @!p0 s1  }
0x82: {  	[bflag:$0x3] =	sbarrier.arrive $0xFFFF  }
0x83: {  	_ =	shalt  }

</sc_bundles>
